<compile_context>
chip_gen: v7x
topology: tpu7x:2x2x1
jax: 0.10.2.dev20260603
libtpu: 0.0.44.dev20260713+nightly
codegen_flags: <defaults>
</compile_context>

<pallas_src>
import functools

import jax
import jax.numpy as jnp
from jax import lax
from jax.experimental import pallas as pl
from jax.experimental.pallas import tpu as pltpu
from jax.experimental.pallas import tpu_sc as plsc

N = 10000
E = 320000
D_IN = 128
D_HID = 128
N_CLASS = 64

NC = 2
NS = 16
G = 128
CHUNKS = 160
EPAD = NS * CHUNKS * G
NPAD = 10112
RPT = NPAD // NS
W1 = 72
XTRA = W1 - (D_IN - W1) - 1
W2 = 32

_mesh = plsc.VectorSubcoreMesh(core_axis_name="c", subcore_axis_name="s")


def _seg_sum_body(w, table_l, table_r, src2d, dst2d, zeros, out, srcbuf,
                  dstbuf, rows_a, rows_b, agg, sem_a, sem_b):
    c = lax.axis_index("c")
    s = lax.axis_index("s")
    pltpu.sync_copy(zeros, agg.at[pl.ds(s * RPT, RPT)])
    pltpu.sync_copy(src2d.at[pl.ds(s * CHUNKS, CHUNKS)], srcbuf)
    pltpu.sync_copy(dst2d.at[pl.ds(s * CHUNKS, CHUNKS)], dstbuf)
    plsc.subcore_barrier()

    def run(table):
        pltpu.async_copy(table.at[srcbuf.at[0]], rows_a, sem_a)

        @pl.loop(0, CHUNKS, step=2)
        def _(j):
            pltpu.async_copy(table.at[srcbuf.at[j + 1]], rows_b, sem_b)
            pltpu.make_async_copy(table.at[srcbuf.at[j]], rows_a, sem_a).wait()
            pltpu.sync_copy(rows_a, agg.at[dstbuf.at[j]], add=True)

            @pl.when(j + 2 < CHUNKS)
            def _():
                pltpu.async_copy(table.at[srcbuf.at[j + 2]], rows_a, sem_a)

            pltpu.make_async_copy(table.at[srcbuf.at[j + 1]], rows_b,
                                  sem_b).wait()
            pltpu.sync_copy(rows_b, agg.at[dstbuf.at[j + 1]], add=True)

    @pl.when(c == 0)
    def _():
        run(table_l)

    @pl.when(c == 1)
    def _():
        run(table_r)

    plsc.subcore_barrier()
    pltpu.sync_copy(agg.at[pl.ds(s * RPT, RPT)],
                    out.at[c, pl.ds(s * RPT, RPT)])


def _make_seg_sum(w):
    return pl.kernel(
        functools.partial(_seg_sum_body, w),
        out_type=jax.ShapeDtypeStruct((NC, NPAD, w), jnp.float32),
        mesh=_mesh,
        scratch_types=[
            pltpu.VMEM((CHUNKS, G), jnp.int32),
            pltpu.VMEM((CHUNKS, G), jnp.int32),
            pltpu.VMEM((G, w), jnp.float32),
            pltpu.VMEM((G, w), jnp.float32),
            pltpu.VMEM_SHARED((NPAD, w), jnp.float32),
            pltpu.SemaphoreType.DMA,
            pltpu.SemaphoreType.DMA,
        ],
        compiler_params=pltpu.CompilerParams(use_tc_tiling_on_sc=False),
    )


_seg_sum_1 = _make_seg_sum(W1)
_seg_sum_2 = _make_seg_sum(W2)


def _tc1_body(p_ref, x_ref, a1_ref, a2_ref, b1_ref, w1r_ref, w2l_ref,
              w2r_ref, b2_ref, tl_ref, tr_ref, zx_ref):
    pm = p_ref[0]
    pr = p_ref[1]
    cnt = jnp.maximum(pr[:, D_IN - W1:D_IN - W1 + 1], 1.0)
    h = jnp.dot(pm / cnt, a1_ref[...], preferred_element_type=jnp.float32)
    h = h + jnp.dot(pr[:, :D_IN - W1] / cnt, a2_ref[...],
                    preferred_element_type=jnp.float32)
    h = h + b1_ref[...]
    h = h + jnp.dot(x_ref[...], w1r_ref[...],
                    preferred_element_type=jnp.float32)
    h = jnp.maximum(h, 0.0)
    t = jnp.dot(h, w2l_ref[...], preferred_element_type=jnp.float32)
    tl_ref[...] = t[:, :W2]
    tr_ref[...] = t[:, W2:]
    z = jnp.dot(h, w2r_ref[...], preferred_element_type=jnp.float32)
    z = z + b2_ref[...]
    inv = jnp.broadcast_to(1.0 / cnt, (z.shape[0], N_CLASS))
    zx_ref[...] = jnp.concatenate([z, inv], axis=1)


def _tc2_body(q_ref, zx_ref, o_ref):
    qs = jnp.concatenate([q_ref[0], q_ref[1]], axis=1)
    z = zx_ref[:, :N_CLASS]
    inv = zx_ref[:, N_CLASS:N_CLASS + 1]
    o = z + qs * inv
    m = jnp.max(o, axis=1, keepdims=True)
    e = jnp.exp(o - m)
    o_ref[...] = (o - m) - jnp.log(jnp.sum(e, axis=1, keepdims=True))


_R1 = 632


def _tc1(p, xpad, a1, a2, b1, w1rt, w2lt, w2rt, b2):
    grid = (NPAD // _R1,)
    return pl.pallas_call(
        _tc1_body,
        grid=grid,
        in_specs=[
            pl.BlockSpec((NC, _R1, W1), lambda i: (0, i, 0)),
            pl.BlockSpec((_R1, D_IN), lambda i: (i, 0)),
            pl.BlockSpec((W1, D_HID), lambda i: (0, 0)),
            pl.BlockSpec((D_IN - W1, D_HID), lambda i: (0, 0)),
            pl.BlockSpec((1, D_HID), lambda i: (0, 0)),
            pl.BlockSpec((D_IN, D_HID), lambda i: (0, 0)),
            pl.BlockSpec((D_HID, N_CLASS), lambda i: (0, 0)),
            pl.BlockSpec((D_HID, N_CLASS), lambda i: (0, 0)),
            pl.BlockSpec((1, N_CLASS), lambda i: (0, 0)),
        ],
        out_specs=[
            pl.BlockSpec((_R1, W2), lambda i: (i, 0)),
            pl.BlockSpec((_R1, W2), lambda i: (i, 0)),
            pl.BlockSpec((_R1, 2 * N_CLASS), lambda i: (i, 0)),
        ],
        out_shape=[
            jax.ShapeDtypeStruct((NPAD, W2), jnp.float32),
            jax.ShapeDtypeStruct((NPAD, W2), jnp.float32),
            jax.ShapeDtypeStruct((NPAD, 2 * N_CLASS), jnp.float32),
        ],
    )(p, xpad, a1, a2, b1, w1rt, w2lt, w2rt, b2)


def _tc2(q, zx):
    grid = (NPAD // _R1,)
    return pl.pallas_call(
        _tc2_body,
        grid=grid,
        in_specs=[
            pl.BlockSpec((NC, _R1, W2), lambda i: (0, i, 0)),
            pl.BlockSpec((_R1, 2 * N_CLASS), lambda i: (i, 0)),
        ],
        out_specs=pl.BlockSpec((_R1, N_CLASS), lambda i: (i, 0)),
        out_shape=jax.ShapeDtypeStruct((NPAD, N_CLASS), jnp.float32),
    )(q, zx)


@jax.jit
def kernel(x, edge_index, W1l, b1, W1r, W2l, b2, W2r):
    src = edge_index[0].astype(jnp.int32)
    dst = edge_index[1].astype(jnp.int32)
    pad = EPAD - E
    src2d = jnp.concatenate(
        [src, jnp.zeros((pad,), jnp.int32)]).reshape(NS * CHUNKS, G)
    dst2d = jnp.concatenate(
        [dst, jnp.full((pad,), N, jnp.int32)]).reshape(NS * CHUNKS, G)

    rows_pad = ((0, NPAD - N), (0, 0))
    xa_l = jnp.pad(x[:, :W1], rows_pad)
    xa_r = jnp.pad(
        jnp.concatenate(
            [x[:, W1:], jnp.ones((N, 1), jnp.float32),
             jnp.zeros((N, XTRA), jnp.float32)], axis=1), rows_pad)
    zeros1 = jnp.zeros((RPT, W1), jnp.float32)
    p = _seg_sum_1(xa_l, xa_r, src2d, dst2d, zeros1)

    xpad = jnp.pad(x, rows_pad)
    t_l, t_r, zx = _tc1(p, xpad, W1l.T[:W1], W1l.T[W1:], b1.reshape(1, -1),
                        W1r.T, W2l.T, W2r.T, b2.reshape(1, -1))

    zeros2 = jnp.zeros((RPT, W2), jnp.float32)
    q = _seg_sum_2(t_l, t_r, src2d, dst2d, zeros2)

    out = _tc2(q, zx)
    return out[:N]

# --- scband reference (transcript-rebuilt; emitter-appended) ---
"""Pipeline reference for scband-sage-net-81432579932422 (READ-ONLY COPY).

The authoritative reference and input builder live on the scoring server;
editing this copy changes nothing except your own understanding.
"""

import jax, jax.numpy as jnp
import numpy as np

N = 10000
E = 320000
D_IN = 128
D_HID = 128
N_CLASS = 64


def setup_inputs(seed: int = 0):
    key = jax.random.key(seed)
    ks = jax.random.split(key, 8)
    x = jax.random.normal(ks[0], (N, D_IN), dtype=jnp.float32)
    edge_index = jax.random.randint(ks[1], (2, E), 0, N)
    s1 = 1.0 / np.sqrt(D_IN)
    W1l = jax.random.uniform(ks[2], (D_HID, D_IN), jnp.float32, -s1, s1)
    b1 = jax.random.uniform(ks[3], (D_HID,), jnp.float32, -s1, s1)
    W1r = jax.random.uniform(ks[4], (D_HID, D_IN), jnp.float32, -s1, s1)
    s2 = 1.0 / np.sqrt(D_HID)
    W2l = jax.random.uniform(ks[5], (N_CLASS, D_HID), jnp.float32, -s2, s2)
    b2 = jax.random.uniform(ks[6], (N_CLASS,), jnp.float32, -s2, s2)
    W2r = jax.random.uniform(ks[7], (N_CLASS, D_HID), jnp.float32, -s2, s2)
    return {"x": x, "edge_index": edge_index, "W1l": W1l, "b1": b1,
            "W1r": W1r, "W2l": W2l, "b2": b2, "W2r": W2r}


def _sage_conv(x, src, dst, Wl, bl, Wr):
    # PyG SAGEConv with mean aggregation: out = lin_l(mean_j x_j) + lin_r(x)
    msg = jnp.take(x, src, axis=0)
    agg = jax.ops.segment_sum(msg, dst, num_segments=N)
    cnt = jax.ops.segment_sum(jnp.ones((src.shape[0],), dtype=x.dtype), dst, num_segments=N)
    mean = agg / jnp.clip(cnt, 1.0)[:, None]
    return mean @ Wl.T + bl + x @ Wr.T


def reference(x, edge_index, W1l, b1, W1r, W2l, b2, W2r):
    # dropout layers are identity in eval mode
    src = edge_index[0]
    dst = edge_index[1]
    h = jax.nn.relu(_sage_conv(x, src, dst, W1l, b1, W1r))
    out = _sage_conv(h, src, dst, W2l, b2, W2r)
    return jax.nn.log_softmax(out, axis=1)

if __name__ == "__main__":
    import jax
    _d = setup_inputs()
    print(jax.jit(kernel)(*tuple(_d.values())))

</pallas_src>

<mosaic_0001>
#map = affine_map<(d0, d1) -> (0, 0)>
#map1 = affine_map<(d0, d1) -> (0, 0, 0)>
module attributes {stable_mosaic.version = 14 : i64} {
  func.func @_seg_sum_body(%arg0: i32, %arg1: i32, %arg2: memref<10112x32xf32, #tpu.memory_space<hbm>>, %arg3: memref<10112x32xf32, #tpu.memory_space<hbm>>, %arg4: memref<2560x128xi32, #tpu.memory_space<hbm>>, %arg5: memref<2560x128xi32, #tpu.memory_space<hbm>>, %arg6: memref<632x32xf32, #tpu.memory_space<hbm>>, %arg7: memref<2x10112x32xf32, #tpu.memory_space<hbm>>, %arg8: memref<160x128xi32, #tpu.memory_space<vmem>>, %arg9: memref<160x128xi32, #tpu.memory_space<vmem>>, %arg10: memref<128x32xf32, #tpu.memory_space<vmem>>, %arg11: memref<128x32xf32, #tpu.memory_space<vmem>>, %arg12: memref<10112x32xf32, #tpu.memory_space<vmem_shared>>, %arg13: memref<!tpu.dma_semaphore, #tpu.memory_space<semaphore_mem>>, %arg14: memref<!tpu.dma_semaphore, #tpu.memory_space<semaphore_mem>>) attributes {dimension_semantics = [#tpu.dimension_semantics<core_parallel>, #tpu.dimension_semantics<subcore_parallel>], iteration_bounds = array<i64: 2, 16>, scalar_prefetch = 0 : i64, scratch_operands = 7 : i64, tpu.core_type = #tpu.core_type<sc_vector_subcore>, window_params = [{transform_indices = #map}, {transform_indices = #map}, {transform_indices = #map}, {transform_indices = #map}, {transform_indices = #map}, {transform_indices = #map1}]} {
    %mul3A = arith.constant 632 : i32
    %mul3A_0 = arith.muli %arg1, %mul3A : i32
    "tpu.region"() ({
      %run_scoped3A = tpu.sem_alloc : memref<!tpu.dma_semaphore, #tpu.memory_space<semaphore_mem>>
      %dma_start3A = arith.constant 0 : i32
      %dma_start3A_17 = tpu.memref_slice %arg12[%mul3A_0, %dma_start3A] : memref<10112x32xf32, #tpu.memory_space<vmem_shared>> -> memref<632x32xf32, #tpu.memory_space<vmem_shared>>
      tpu.enqueue_dma source(%arg6 : memref<632x32xf32, #tpu.memory_space<hbm>>) target(%dma_start3A_17 : memref<632x32xf32, #tpu.memory_space<vmem_shared>>) target_semaphore(%run_scoped3A : memref<!tpu.dma_semaphore, #tpu.memory_space<semaphore_mem>>)
      %dma_wait3A = arith.constant 0 : i32
      %dma_wait3A_18 = tpu.memref_slice %arg12[%mul3A_0, %dma_wait3A] : memref<10112x32xf32, #tpu.memory_space<vmem_shared>> -> memref<632x32xf32, #tpu.memory_space<vmem_shared>>
      tpu.wait_dma2 semaphore(%run_scoped3A : memref<!tpu.dma_semaphore, #tpu.memory_space<semaphore_mem>>) src(%arg6 : memref<632x32xf32, #tpu.memory_space<hbm>>) dst(%dma_wait3A_18 : memref<632x32xf32, #tpu.memory_space<vmem_shared>>)
      tpu.yield
    }) : () -> ()
    %mul3A_1 = arith.constant 160 : i32
    %mul3A_2 = arith.muli %arg1, %mul3A_1 : i32
    "tpu.region"() ({
      %run_scoped3A = tpu.sem_alloc : memref<!tpu.dma_semaphore, #tpu.memory_space<semaphore_mem>>
      %dma_start3A = arith.constant 0 : i32
      %dma_start3A_17 = tpu.memref_slice %arg4[%mul3A_2, %dma_start3A] : memref<2560x128xi32, #tpu.memory_space<hbm>> -> memref<160x128xi32, #tpu.memory_space<hbm>>
      %dma_start3A_18 = arith.constant 0 : i32
      %dma_start3A_19 = tpu.memref_slice %arg4[%mul3A_2, %dma_start3A_18] : memref<2560x128xi32, #tpu.memory_space<hbm>> -> memref<160x128xi32, #tpu.memory_space<hbm>>
      tpu.enqueue_dma source(%dma_start3A_19 : memref<160x128xi32, #tpu.memory_space<hbm>>) target(%arg8 : memref<160x128xi32, #tpu.memory_space<vmem>>) target_semaphore(%run_scoped3A : memref<!tpu.dma_semaphore, #tpu.memory_space<semaphore_mem>>)
      %dma_wait3A = arith.constant 0 : i32
      %dma_wait3A_20 = tpu.memref_slice %arg4[%mul3A_2, %dma_wait3A] : memref<2560x128xi32, #tpu.memory_space<hbm>> -> memref<160x128xi32, #tpu.memory_space<hbm>>
      %dma_wait3A_21 = arith.constant 0 : i32
      %dma_wait3A_22 = tpu.memref_slice %arg4[%mul3A_2, %dma_wait3A_21] : memref<2560x128xi32, #tpu.memory_space<hbm>> -> memref<160x128xi32, #tpu.memory_space<hbm>>
      tpu.wait_dma2 semaphore(%run_scoped3A : memref<!tpu.dma_semaphore, #tpu.memory_space<semaphore_mem>>) src(%dma_wait3A_22 : memref<160x128xi32, #tpu.memory_space<hbm>>) dst(%arg8 : memref<160x128xi32, #tpu.memory_space<vmem>>)
      tpu.yield
    }) : () -> ()
    %mul3A_3 = arith.constant 160 : i32
    %mul3A_4 = arith.muli %arg1, %mul3A_3 : i32
    "tpu.region"() ({
      %run_scoped3A = tpu.sem_alloc : memref<!tpu.dma_semaphore, #tpu.memory_space<semaphore_mem>>
      %dma_start3A = arith.constant 0 : i32
      %dma_start3A_17 = tpu.memref_slice %arg5[%mul3A_4, %dma_start3A] : memref<2560x128xi32, #tpu.memory_space<hbm>> -> memref<160x128xi32, #tpu.memory_space<hbm>>
      %dma_start3A_18 = arith.constant 0 : i32
      %dma_start3A_19 = tpu.memref_slice %arg5[%mul3A_4, %dma_start3A_18] : memref<2560x128xi32, #tpu.memory_space<hbm>> -> memref<160x128xi32, #tpu.memory_space<hbm>>
      tpu.enqueue_dma source(%dma_start3A_19 : memref<160x128xi32, #tpu.memory_space<hbm>>) target(%arg9 : memref<160x128xi32, #tpu.memory_space<vmem>>) target_semaphore(%run_scoped3A : memref<!tpu.dma_semaphore, #tpu.memory_space<semaphore_mem>>)
      %dma_wait3A = arith.constant 0 : i32
      %dma_wait3A_20 = tpu.memref_slice %arg5[%mul3A_4, %dma_wait3A] : memref<2560x128xi32, #tpu.memory_space<hbm>> -> memref<160x128xi32, #tpu.memory_space<hbm>>
      %dma_wait3A_21 = arith.constant 0 : i32
      %dma_wait3A_22 = tpu.memref_slice %arg5[%mul3A_4, %dma_wait3A_21] : memref<2560x128xi32, #tpu.memory_space<hbm>> -> memref<160x128xi32, #tpu.memory_space<hbm>>
      tpu.wait_dma2 semaphore(%run_scoped3A : memref<!tpu.dma_semaphore, #tpu.memory_space<semaphore_mem>>) src(%dma_wait3A_22 : memref<160x128xi32, #tpu.memory_space<hbm>>) dst(%arg9 : memref<160x128xi32, #tpu.memory_space<vmem>>)
      tpu.yield
    }) : () -> ()
    %barrier3A = arith.constant 0 : index
    tpu.barrier barrier_id(%barrier3A)
    %eq3A = arith.constant 0 : i32
    %eq3A_5 = arith.cmpi eq, %arg0, %eq3A : i32
    %convert_element_type3A = arith.extui %eq3A_5 : i1 to i32
    %cond3A = arith.constant 0 : i32
    %cond3A_6 = arith.cmpi ne, %convert_element_type3A, %cond3A : i32
    scf.if %cond3A_6 {
      %dma_start3A = arith.constant 0 : i32
      %dma_start3A_17 = arith.constant 0 : i32
      %dma_start3A_18 = tpu.memref_slice %arg8[%dma_start3A, %dma_start3A_17] : memref<160x128xi32, #tpu.memory_space<vmem>> -> memref<1x128xi32, #tpu.memory_space<vmem>>
      %dma_start3A_19 = tpu.memref_squeeze %dma_start3A_18 : memref<1x128xi32, #tpu.memory_space<vmem>> -> memref<128xi32, #tpu.memory_space<vmem>>
      %dma_start3A_20 = arith.constant 0 : i32
      %dma_start3A_21 = arith.constant 0 : i32
      %dma_start3A_22 = tpu.memref_slice %arg2[%dma_start3A_20, %dma_start3A_21] : memref<10112x32xf32, #tpu.memory_space<hbm>> -> memref<10112x32xf32, #tpu.memory_space<hbm>>
      tpu.enqueue_indirect_dma source(%dma_start3A_22 : memref<10112x32xf32, #tpu.memory_space<hbm>>) target(%arg10 : memref<128x32xf32, #tpu.memory_space<vmem>>) offsets(%dma_start3A_19 : memref<128xi32, #tpu.memory_space<vmem>>) semaphore(%arg13 : memref<!tpu.dma_semaphore, #tpu.memory_space<semaphore_mem>>)
      %scan3A = arith.constant 0 : i32
      %scan3A_23 = arith.constant 80 : i32
      %scan3A_24 = arith.addi %scan3A, %scan3A_23 : i32
      %scan3A_25 = arith.constant 1 : i32
      scf.for %scan3A_27 = %scan3A to %scan3A_24 step %scan3A_25  : i32 {
        %mul3A_28 = arith.constant 2 : i32
        %mul3A_29 = arith.muli %scan3A_27, %mul3A_28 : i32
        %add3A = arith.constant 0 : i32
        %add3A_30 = arith.addi %add3A, %mul3A_29 : i32
        %add3A_31 = arith.constant 1 : i32
        %add3A_32 = arith.addi %add3A_30, %add3A_31 : i32
        %dma_start3A_33 = arith.constant 0 : i32
        %dma_start3A_34 = tpu.memref_slice %arg8[%add3A_32, %dma_start3A_33] : memref<160x128xi32, #tpu.memory_space<vmem>> -> memref<1x128xi32, #tpu.memory_space<vmem>>
        %dma_start3A_35 = tpu.memref_squeeze %dma_start3A_34 : memref<1x128xi32, #tpu.memory_space<vmem>> -> memref<128xi32, #tpu.memory_space<vmem>>
        %dma_start3A_36 = arith.constant 0 : i32
        %dma_start3A_37 = arith.constant 0 : i32
        %dma_start3A_38 = tpu.memref_slice %arg2[%dma_start3A_36, %dma_start3A_37] : memref<10112x32xf32, #tpu.memory_space<hbm>> -> memref<10112x32xf32, #tpu.memory_space<hbm>>
        tpu.enqueue_indirect_dma source(%dma_start3A_38 : memref<10112x32xf32, #tpu.memory_space<hbm>>) target(%arg11 : memref<128x32xf32, #tpu.memory_space<vmem>>) offsets(%dma_start3A_35 : memref<128xi32, #tpu.memory_space<vmem>>) semaphore(%arg14 : memref<!tpu.dma_semaphore, #tpu.memory_space<semaphore_mem>>)
        %dma_wait3A = arith.constant 0 : i32
        %dma_wait3A_39 = tpu.memref_slice %arg8[%add3A_30, %dma_wait3A] : memref<160x128xi32, #tpu.memory_space<vmem>> -> memref<1x128xi32, #tpu.memory_space<vmem>>
        %dma_wait3A_40 = tpu.memref_squeeze %dma_wait3A_39 : memref<1x128xi32, #tpu.memory_space<vmem>> -> memref<128xi32, #tpu.memory_space<vmem>>
        %dma_wait3A_41 = arith.constant 0 : i32
        %dma_wait3A_42 = arith.constant 0 : i32
        %dma_wait3A_43 = tpu.memref_slice %arg2[%dma_wait3A_41, %dma_wait3A_42] : memref<10112x32xf32, #tpu.memory_space<hbm>> -> memref<10112x32xf32, #tpu.memory_space<hbm>>
        tpu.wait_indirect_dma semaphore(%arg13 : memref<!tpu.dma_semaphore, #tpu.memory_space<semaphore_mem>>) src(%dma_wait3A_43 : memref<10112x32xf32, #tpu.memory_space<hbm>>) dst(%arg10 : memref<128x32xf32, #tpu.memory_space<vmem>>)
        "tpu.region"() ({
          %run_scoped3A = tpu.sem_alloc : memref<!tpu.dma_semaphore, #tpu.memory_space<semaphore_mem>>
          %dma_start3A_60 = arith.constant 0 : i32
          %dma_start3A_61 = tpu.memref_slice %arg9[%add3A_30, %dma_start3A_60] : memref<160x128xi32, #tpu.memory_space<vmem>> -> memref<1x128xi32, #tpu.memory_space<vmem>>
          %dma_start3A_62 = tpu.memref_squeeze %dma_start3A_61 : memref<1x128xi32, #tpu.memory_space<vmem>> -> memref<128xi32, #tpu.memory_space<vmem>>
          %dma_start3A_63 = arith.constant 0 : i32
          %dma_start3A_64 = arith.constant 0 : i32
          %dma_start3A_65 = tpu.memref_slice %arg12[%dma_start3A_63, %dma_start3A_64] : memref<10112x32xf32, #tpu.memory_space<vmem_shared>> -> memref<10112x32xf32, #tpu.memory_space<vmem_shared>>
          tpu.enqueue_indirect_dma source(%arg10 : memref<128x32xf32, #tpu.memory_space<vmem>>) target(%dma_start3A_65 : memref<10112x32xf32, #tpu.memory_space<vmem_shared>>) offsets(%dma_start3A_62 : memref<128xi32, #tpu.memory_space<vmem>>) semaphore(%run_scoped3A : memref<!tpu.dma_semaphore, #tpu.memory_space<semaphore_mem>>) {add = true}
          %dma_wait3A_66 = arith.constant 0 : i32
          %dma_wait3A_67 = tpu.memref_slice %arg9[%add3A_30, %dma_wait3A_66] : memref<160x128xi32, #tpu.memory_space<vmem>> -> memref<1x128xi32, #tpu.memory_space<vmem>>
          %dma_wait3A_68 = tpu.memref_squeeze %dma_wait3A_67 : memref<1x128xi32, #tpu.memory_space<vmem>> -> memref<128xi32, #tpu.memory_space<vmem>>
          %dma_wait3A_69 = arith.constant 0 : i32
          %dma_wait3A_70 = arith.constant 0 : i32
          %dma_wait3A_71 = tpu.memref_slice %arg12[%dma_wait3A_69, %dma_wait3A_70] : memref<10112x32xf32, #tpu.memory_space<vmem_shared>> -> memref<10112x32xf32, #tpu.memory_space<vmem_shared>>
          tpu.wait_indirect_dma semaphore(%run_scoped3A : memref<!tpu.dma_semaphore, #tpu.memory_space<semaphore_mem>>) src(%arg10 : memref<128x32xf32, #tpu.memory_space<vmem>>) dst(%dma_wait3A_71 : memref<10112x32xf32, #tpu.memory_space<vmem_shared>>)
          tpu.yield
        }) : () -> ()
        %add3A_44 = arith.constant 2 : i32
        %add3A_45 = arith.addi %add3A_30, %add3A_44 : i32
        %lt3A = arith.constant 160 : i32
        %lt3A_46 = arith.cmpi slt, %add3A_45, %lt3A : i32
        %convert_element_type3A_47 = arith.extui %lt3A_46 : i1 to i32
        %cond3A_48 = arith.constant 0 : i32
        %cond3A_49 = arith.cmpi ne, %convert_element_type3A_47, %cond3A_48 : i32
        scf.if %cond3A_49 {
          %add3A_60 = arith.constant 2 : i32
          %add3A_61 = arith.addi %add3A_30, %add3A_60 : i32
          %dma_start3A_62 = arith.constant 0 : i32
          %dma_start3A_63 = tpu.memref_slice %arg8[%add3A_61, %dma_start3A_62] : memref<160x128xi32, #tpu.memory_space<vmem>> -> memref<1x128xi32, #tpu.memory_space<vmem>>
          %dma_start3A_64 = tpu.memref_squeeze %dma_start3A_63 : memref<1x128xi32, #tpu.memory_space<vmem>> -> memref<128xi32, #tpu.memory_space<vmem>>
          %dma_start3A_65 = arith.constant 0 : i32
          %dma_start3A_66 = arith.constant 0 : i32
          %dma_start3A_67 = tpu.memref_slice %arg2[%dma_start3A_65, %dma_start3A_66] : memref<10112x32xf32, #tpu.memory_space<hbm>> -> memref<10112x32xf32, #tpu.memory_space<hbm>>
          tpu.enqueue_indirect_dma source(%dma_start3A_67 : memref<10112x32xf32, #tpu.memory_space<hbm>>) target(%arg10 : memref<128x32xf32, #tpu.memory_space<vmem>>) offsets(%dma_start3A_64 : memref<128xi32, #tpu.memory_space<vmem>>) semaphore(%arg13 : memref<!tpu.dma_semaphore, #tpu.memory_space<semaphore_mem>>)
        } else {
        }
        %add3A_50 = arith.constant 1 : i32
        %add3A_51 = arith.addi %add3A_30, %add3A_50 : i32
        %dma_wait3A_52 = arith.constant 0 : i32
        %dma_wait3A_53 = tpu.memref_slice %arg8[%add3A_51, %dma_wait3A_52] : memref<160x128xi32, #tpu.memory_space<vmem>> -> memref<1x128xi32, #tpu.memory_space<vmem>>
        %dma_wait3A_54 = tpu.memref_squeeze %dma_wait3A_53 : memref<1x128xi32, #tpu.memory_space<vmem>> -> memref<128xi32, #tpu.memory_space<vmem>>
        %dma_wait3A_55 = arith.constant 0 : i32
        %dma_wait3A_56 = arith.constant 0 : i32
        %dma_wait3A_57 = tpu.memref_slice %arg2[%dma_wait3A_55, %dma_wait3A_56] : memref<10112x32xf32, #tpu.memory_space<hbm>> -> memref<10112x32xf32, #tpu.memory_space<hbm>>
        tpu.wait_indirect_dma semaphore(%arg14 : memref<!tpu.dma_semaphore, #tpu.memory_space<semaphore_mem>>) src(%dma_wait3A_57 : memref<10112x32xf32, #tpu.memory_space<hbm>>) dst(%arg11 : memref<128x32xf32, #tpu.memory_space<vmem>>)
        %add3A_58 = arith.constant 1 : i32
        %add3A_59 = arith.addi %add3A_30, %add3A_58 : i32
        "tpu.region"() ({
          %run_scoped3A = tpu.sem_alloc : memref<!tpu.dma_semaphore, #tpu.memory_space<semaphore_mem>>
          %dma_start3A_60 = arith.constant 0 : i32
          %dma_start3A_61 = tpu.memref_slice %arg9[%add3A_59, %dma_start3A_60] : memref<160x128xi32, #tpu.memory_space<vmem>> -> memref<1x128xi32, #tpu.memory_space<vmem>>
          %dma_start3A_62 = tpu.memref_squeeze %dma_start3A_61 : memref<1x128xi32, #tpu.memory_space<vmem>> -> memref<128xi32, #tpu.memory_space<vmem>>
          %dma_start3A_63 = arith.constant 0 : i32
          %dma_start3A_64 = arith.constant 0 : i32
          %dma_start3A_65 = tpu.memref_slice %arg12[%dma_start3A_63, %dma_start3A_64] : memref<10112x32xf32, #tpu.memory_space<vmem_shared>> -> memref<10112x32xf32, #tpu.memory_space<vmem_shared>>
          tpu.enqueue_indirect_dma source(%arg11 : memref<128x32xf32, #tpu.memory_space<vmem>>) target(%dma_start3A_65 : memref<10112x32xf32, #tpu.memory_space<vmem_shared>>) offsets(%dma_start3A_62 : memref<128xi32, #tpu.memory_space<vmem>>) semaphore(%run_scoped3A : memref<!tpu.dma_semaphore, #tpu.memory_space<semaphore_mem>>) {add = true}
          %dma_wait3A_66 = arith.constant 0 : i32
          %dma_wait3A_67 = tpu.memref_slice %arg9[%add3A_59, %dma_wait3A_66] : memref<160x128xi32, #tpu.memory_space<vmem>> -> memref<1x128xi32, #tpu.memory_space<vmem>>
          %dma_wait3A_68 = tpu.memref_squeeze %dma_wait3A_67 : memref<1x128xi32, #tpu.memory_space<vmem>> -> memref<128xi32, #tpu.memory_space<vmem>>
          %dma_wait3A_69 = arith.constant 0 : i32
          %dma_wait3A_70 = arith.constant 0 : i32
          %dma_wait3A_71 = tpu.memref_slice %arg12[%dma_wait3A_69, %dma_wait3A_70] : memref<10112x32xf32, #tpu.memory_space<vmem_shared>> -> memref<10112x32xf32, #tpu.memory_space<vmem_shared>>
          tpu.wait_indirect_dma semaphore(%run_scoped3A : memref<!tpu.dma_semaphore, #tpu.memory_space<semaphore_mem>>) src(%arg11 : memref<128x32xf32, #tpu.memory_space<vmem>>) dst(%dma_wait3A_71 : memref<10112x32xf32, #tpu.memory_space<vmem_shared>>)
          tpu.yield
        }) : () -> ()
      }
      %scan3A_26 = arith.constant 80 : i32
    } else {
    }
    %eq3A_7 = arith.constant 1 : i32
    %eq3A_8 = arith.cmpi eq, %arg0, %eq3A_7 : i32
    %convert_element_type3A_9 = arith.extui %eq3A_8 : i1 to i32
    %cond3A_10 = arith.constant 0 : i32
    %cond3A_11 = arith.cmpi ne, %convert_element_type3A_9, %cond3A_10 : i32
    scf.if %cond3A_11 {
      %dma_start3A = arith.constant 0 : i32
      %dma_start3A_17 = arith.constant 0 : i32
      %dma_start3A_18 = tpu.memref_slice %arg8[%dma_start3A, %dma_start3A_17] : memref<160x128xi32, #tpu.memory_space<vmem>> -> memref<1x128xi32, #tpu.memory_space<vmem>>
      %dma_start3A_19 = tpu.memref_squeeze %dma_start3A_18 : memref<1x128xi32, #tpu.memory_space<vmem>> -> memref<128xi32, #tpu.memory_space<vmem>>
      %dma_start3A_20 = arith.constant 0 : i32
      %dma_start3A_21 = arith.constant 0 : i32
      %dma_start3A_22 = tpu.memref_slice %arg3[%dma_start3A_20, %dma_start3A_21] : memref<10112x32xf32, #tpu.memory_space<hbm>> -> memref<10112x32xf32, #tpu.memory_space<hbm>>
      tpu.enqueue_indirect_dma source(%dma_start3A_22 : memref<10112x32xf32, #tpu.memory_space<hbm>>) target(%arg10 : memref<128x32xf32, #tpu.memory_space<vmem>>) offsets(%dma_start3A_19 : memref<128xi32, #tpu.memory_space<vmem>>) semaphore(%arg13 : memref<!tpu.dma_semaphore, #tpu.memory_space<semaphore_mem>>)
      %scan3A = arith.constant 0 : i32
      %scan3A_23 = arith.constant 80 : i32
      %scan3A_24 = arith.addi %scan3A, %scan3A_23 : i32
      %scan3A_25 = arith.constant 1 : i32
      scf.for %scan3A_27 = %scan3A to %scan3A_24 step %scan3A_25  : i32 {
        %mul3A_28 = arith.constant 2 : i32
        %mul3A_29 = arith.muli %scan3A_27, %mul3A_28 : i32
        %add3A = arith.constant 0 : i32
        %add3A_30 = arith.addi %add3A, %mul3A_29 : i32
        %add3A_31 = arith.constant 1 : i32
        %add3A_32 = arith.addi %add3A_30, %add3A_31 : i32
        %dma_start3A_33 = arith.constant 0 : i32
        %dma_start3A_34 = tpu.memref_slice %arg8[%add3A_32, %dma_start3A_33] : memref<160x128xi32, #tpu.memory_space<vmem>> -> memref<1x128xi32, #tpu.memory_space<vmem>>
        %dma_start3A_35 = tpu.memref_squeeze %dma_start3A_34 : memref<1x128xi32, #tpu.memory_space<vmem>> -> memref<128xi32, #tpu.memory_space<vmem>>
        %dma_start3A_36 = arith.constant 0 : i32
        %dma_start3A_37 = arith.constant 0 : i32
        %dma_start3A_38 = tpu.memref_slice %arg3[%dma_start3A_36, %dma_start3A_37] : memref<10112x32xf32, #tpu.memory_space<hbm>> -> memref<10112x32xf32, #tpu.memory_space<hbm>>
        tpu.enqueue_indirect_dma source(%dma_start3A_38 : memref<10112x32xf32, #tpu.memory_space<hbm>>) target(%arg11 : memref<128x32xf32, #tpu.memory_space<vmem>>) offsets(%dma_start3A_35 : memref<128xi32, #tpu.memory_space<vmem>>) semaphore(%arg14 : memref<!tpu.dma_semaphore, #tpu.memory_space<semaphore_mem>>)
        %dma_wait3A = arith.constant 0 : i32
        %dma_wait3A_39 = tpu.memref_slice %arg8[%add3A_30, %dma_wait3A] : memref<160x128xi32, #tpu.memory_space<vmem>> -> memref<1x128xi32, #tpu.memory_space<vmem>>
        %dma_wait3A_40 = tpu.memref_squeeze %dma_wait3A_39 : memref<1x128xi32, #tpu.memory_space<vmem>> -> memref<128xi32, #tpu.memory_space<vmem>>
        %dma_wait3A_41 = arith.constant 0 : i32
        %dma_wait3A_42 = arith.constant 0 : i32
        %dma_wait3A_43 = tpu.memref_slice %arg3[%dma_wait3A_41, %dma_wait3A_42] : memref<10112x32xf32, #tpu.memory_space<hbm>> -> memref<10112x32xf32, #tpu.memory_space<hbm>>
        tpu.wait_indirect_dma semaphore(%arg13 : memref<!tpu.dma_semaphore, #tpu.memory_space<semaphore_mem>>) src(%dma_wait3A_43 : memref<10112x32xf32, #tpu.memory_space<hbm>>) dst(%arg10 : memref<128x32xf32, #tpu.memory_space<vmem>>)
        "tpu.region"() ({
          %run_scoped3A = tpu.sem_alloc : memref<!tpu.dma_semaphore, #tpu.memory_space<semaphore_mem>>
          %dma_start3A_60 = arith.constant 0 : i32
          %dma_start3A_61 = tpu.memref_slice %arg9[%add3A_30, %dma_start3A_60] : memref<160x128xi32, #tpu.memory_space<vmem>> -> memref<1x128xi32, #tpu.memory_space<vmem>>
          %dma_start3A_62 = tpu.memref_squeeze %dma_start3A_61 : memref<1x128xi32, #tpu.memory_space<vmem>> -> memref<128xi32, #tpu.memory_space<vmem>>
          %dma_start3A_63 = arith.constant 0 : i32
          %dma_start3A_64 = arith.constant 0 : i32
          %dma_start3A_65 = tpu.memref_slice %arg12[%dma_start3A_63, %dma_start3A_64] : memref<10112x32xf32, #tpu.memory_space<vmem_shared>> -> memref<10112x32xf32, #tpu.memory_space<vmem_shared>>
          tpu.enqueue_indirect_dma source(%arg10 : memref<128x32xf32, #tpu.memory_space<vmem>>) target(%dma_start3A_65 : memref<10112x32xf32, #tpu.memory_space<vmem_shared>>) offsets(%dma_start3A_62 : memref<128xi32, #tpu.memory_space<vmem>>) semaphore(%run_scoped3A : memref<!tpu.dma_semaphore, #tpu.memory_space<semaphore_mem>>) {add = true}
          %dma_wait3A_66 = arith.constant 0 : i32
          %dma_wait3A_67 = tpu.memref_slice %arg9[%add3A_30, %dma_wait3A_66] : memref<160x128xi32, #tpu.memory_space<vmem>> -> memref<1x128xi32, #tpu.memory_space<vmem>>
          %dma_wait3A_68 = tpu.memref_squeeze %dma_wait3A_67 : memref<1x128xi32, #tpu.memory_space<vmem>> -> memref<128xi32, #tpu.memory_space<vmem>>
          %dma_wait3A_69 = arith.constant 0 : i32
          %dma_wait3A_70 = arith.constant 0 : i32
          %dma_wait3A_71 = tpu.memref_slice %arg12[%dma_wait3A_69, %dma_wait3A_70] : memref<10112x32xf32, #tpu.memory_space<vmem_shared>> -> memref<10112x32xf32, #tpu.memory_space<vmem_shared>>
          tpu.wait_indirect_dma semaphore(%run_scoped3A : memref<!tpu.dma_semaphore, #tpu.memory_space<semaphore_mem>>) src(%arg10 : memref<128x32xf32, #tpu.memory_space<vmem>>) dst(%dma_wait3A_71 : memref<10112x32xf32, #tpu.memory_space<vmem_shared>>)
          tpu.yield
        }) : () -> ()
        %add3A_44 = arith.constant 2 : i32
        %add3A_45 = arith.addi %add3A_30, %add3A_44 : i32
        %lt3A = arith.constant 160 : i32
        %lt3A_46 = arith.cmpi slt, %add3A_45, %lt3A : i32
        %convert_element_type3A_47 = arith.extui %lt3A_46 : i1 to i32
        %cond3A_48 = arith.constant 0 : i32
        %cond3A_49 = arith.cmpi ne, %convert_element_type3A_47, %cond3A_48 : i32
        scf.if %cond3A_49 {
          %add3A_60 = arith.constant 2 : i32
          %add3A_61 = arith.addi %add3A_30, %add3A_60 : i32
          %dma_start3A_62 = arith.constant 0 : i32
          %dma_start3A_63 = tpu.memref_slice %arg8[%add3A_61, %dma_start3A_62] : memref<160x128xi32, #tpu.memory_space<vmem>> -> memref<1x128xi32, #tpu.memory_space<vmem>>
          %dma_start3A_64 = tpu.memref_squeeze %dma_start3A_63 : memref<1x128xi32, #tpu.memory_space<vmem>> -> memref<128xi32, #tpu.memory_space<vmem>>
          %dma_start3A_65 = arith.constant 0 : i32
          %dma_start3A_66 = arith.constant 0 : i32
          %dma_start3A_67 = tpu.memref_slice %arg3[%dma_start3A_65, %dma_start3A_66] : memref<10112x32xf32, #tpu.memory_space<hbm>> -> memref<10112x32xf32, #tpu.memory_space<hbm>>
          tpu.enqueue_indirect_dma source(%dma_start3A_67 : memref<10112x32xf32, #tpu.memory_space<hbm>>) target(%arg10 : memref<128x32xf32, #tpu.memory_space<vmem>>) offsets(%dma_start3A_64 : memref<128xi32, #tpu.memory_space<vmem>>) semaphore(%arg13 : memref<!tpu.dma_semaphore, #tpu.memory_space<semaphore_mem>>)
        } else {
        }
        %add3A_50 = arith.constant 1 : i32
        %add3A_51 = arith.addi %add3A_30, %add3A_50 : i32
        %dma_wait3A_52 = arith.constant 0 : i32
        %dma_wait3A_53 = tpu.memref_slice %arg8[%add3A_51, %dma_wait3A_52] : memref<160x128xi32, #tpu.memory_space<vmem>> -> memref<1x128xi32, #tpu.memory_space<vmem>>
        %dma_wait3A_54 = tpu.memref_squeeze %dma_wait3A_53 : memref<1x128xi32, #tpu.memory_space<vmem>> -> memref<128xi32, #tpu.memory_space<vmem>>
        %dma_wait3A_55 = arith.constant 0 : i32
        %dma_wait3A_56 = arith.constant 0 : i32
        %dma_wait3A_57 = tpu.memref_slice %arg3[%dma_wait3A_55, %dma_wait3A_56] : memref<10112x32xf32, #tpu.memory_space<hbm>> -> memref<10112x32xf32, #tpu.memory_space<hbm>>
        tpu.wait_indirect_dma semaphore(%arg14 : memref<!tpu.dma_semaphore, #tpu.memory_space<semaphore_mem>>) src(%dma_wait3A_57 : memref<10112x32xf32, #tpu.memory_space<hbm>>) dst(%arg11 : memref<128x32xf32, #tpu.memory_space<vmem>>)
        %add3A_58 = arith.constant 1 : i32
        %add3A_59 = arith.addi %add3A_30, %add3A_58 : i32
        "tpu.region"() ({
          %run_scoped3A = tpu.sem_alloc : memref<!tpu.dma_semaphore, #tpu.memory_space<semaphore_mem>>
          %dma_start3A_60 = arith.constant 0 : i32
          %dma_start3A_61 = tpu.memref_slice %arg9[%add3A_59, %dma_start3A_60] : memref<160x128xi32, #tpu.memory_space<vmem>> -> memref<1x128xi32, #tpu.memory_space<vmem>>
          %dma_start3A_62 = tpu.memref_squeeze %dma_start3A_61 : memref<1x128xi32, #tpu.memory_space<vmem>> -> memref<128xi32, #tpu.memory_space<vmem>>
          %dma_start3A_63 = arith.constant 0 : i32
          %dma_start3A_64 = arith.constant 0 : i32
          %dma_start3A_65 = tpu.memref_slice %arg12[%dma_start3A_63, %dma_start3A_64] : memref<10112x32xf32, #tpu.memory_space<vmem_shared>> -> memref<10112x32xf32, #tpu.memory_space<vmem_shared>>
          tpu.enqueue_indirect_dma source(%arg11 : memref<128x32xf32, #tpu.memory_space<vmem>>) target(%dma_start3A_65 : memref<10112x32xf32, #tpu.memory_space<vmem_shared>>) offsets(%dma_start3A_62 : memref<128xi32, #tpu.memory_space<vmem>>) semaphore(%run_scoped3A : memref<!tpu.dma_semaphore, #tpu.memory_space<semaphore_mem>>) {add = true}
          %dma_wait3A_66 = arith.constant 0 : i32
          %dma_wait3A_67 = tpu.memref_slice %arg9[%add3A_59, %dma_wait3A_66] : memref<160x128xi32, #tpu.memory_space<vmem>> -> memref<1x128xi32, #tpu.memory_space<vmem>>
          %dma_wait3A_68 = tpu.memref_squeeze %dma_wait3A_67 : memref<1x128xi32, #tpu.memory_space<vmem>> -> memref<128xi32, #tpu.memory_space<vmem>>
          %dma_wait3A_69 = arith.constant 0 : i32
          %dma_wait3A_70 = arith.constant 0 : i32
          %dma_wait3A_71 = tpu.memref_slice %arg12[%dma_wait3A_69, %dma_wait3A_70] : memref<10112x32xf32, #tpu.memory_space<vmem_shared>> -> memref<10112x32xf32, #tpu.memory_space<vmem_shared>>
          tpu.wait_indirect_dma semaphore(%run_scoped3A : memref<!tpu.dma_semaphore, #tpu.memory_space<semaphore_mem>>) src(%arg11 : memref<128x32xf32, #tpu.memory_space<vmem>>) dst(%dma_wait3A_71 : memref<10112x32xf32, #tpu.memory_space<vmem_shared>>)
          tpu.yield
        }) : () -> ()
      }
      %scan3A_26 = arith.constant 80 : i32
    } else {
    }
    %barrier3A_12 = arith.constant 0 : index
    tpu.barrier barrier_id(%barrier3A_12)
    %mul3A_13 = arith.constant 632 : i32
    %mul3A_14 = arith.muli %arg1, %mul3A_13 : i32
    %mul3A_15 = arith.constant 632 : i32
    %mul3A_16 = arith.muli %arg1, %mul3A_15 : i32
    "tpu.region"() ({
      %run_scoped3A = tpu.sem_alloc : memref<!tpu.dma_semaphore, #tpu.memory_space<semaphore_mem>>
      %dma_start3A = arith.constant 0 : i32
      %dma_start3A_17 = tpu.memref_slice %arg7[%arg0, %mul3A_16, %dma_start3A] : memref<2x10112x32xf32, #tpu.memory_space<hbm>> -> memref<1x632x32xf32, #tpu.memory_space<hbm>>
      %dma_start3A_18 = tpu.memref_squeeze %dma_start3A_17 : memref<1x632x32xf32, #tpu.memory_space<hbm>> -> memref<632x32xf32, #tpu.memory_space<hbm>>
      %dma_start3A_19 = arith.constant 0 : i32
      %dma_start3A_20 = tpu.memref_slice %arg12[%mul3A_14, %dma_start3A_19] : memref<10112x32xf32, #tpu.memory_space<vmem_shared>> -> memref<632x32xf32, #tpu.memory_space<vmem_shared>>
      tpu.enqueue_dma source(%dma_start3A_20 : memref<632x32xf32, #tpu.memory_space<vmem_shared>>) target(%dma_start3A_18 : memref<632x32xf32, #tpu.memory_space<hbm>>) target_semaphore(%run_scoped3A : memref<!tpu.dma_semaphore, #tpu.memory_space<semaphore_mem>>)
      %dma_wait3A = arith.constant 0 : i32
      %dma_wait3A_21 = tpu.memref_slice %arg7[%arg0, %mul3A_16, %dma_wait3A] : memref<2x10112x32xf32, #tpu.memory_space<hbm>> -> memref<1x632x32xf32, #tpu.memory_space<hbm>>
      %dma_wait3A_22 = tpu.memref_squeeze %dma_wait3A_21 : memref<1x632x32xf32, #tpu.memory_space<hbm>> -> memref<632x32xf32, #tpu.memory_space<hbm>>
      %dma_wait3A_23 = arith.constant 0 : i32
      %dma_wait3A_24 = tpu.memref_slice %arg12[%mul3A_14, %dma_wait3A_23] : memref<10112x32xf32, #tpu.memory_space<vmem_shared>> -> memref<632x32xf32, #tpu.memory_space<vmem_shared>>
      tpu.wait_dma2 semaphore(%run_scoped3A : memref<!tpu.dma_semaphore, #tpu.memory_space<semaphore_mem>>) src(%dma_wait3A_24 : memref<632x32xf32, #tpu.memory_space<vmem_shared>>) dst(%dma_wait3A_22 : memref<632x32xf32, #tpu.memory_space<hbm>>)
      tpu.yield
    }) : () -> ()
    return
  }
}

#map = affine_map<(d0, d1) -> (0, 0)>
#map1 = affine_map<(d0, d1) -> (0, 0, 0)>
module attributes {stable_mosaic.version = 14 : i64} {
  func.func @_seg_sum_body(%arg0: i32, %arg1: i32, %arg2: memref<10112x72xf32, #tpu.memory_space<hbm>>, %arg3: memref<10112x72xf32, #tpu.memory_space<hbm>>, %arg4: memref<2560x128xi32, #tpu.memory_space<hbm>>, %arg5: memref<2560x128xi32, #tpu.memory_space<hbm>>, %arg6: memref<632x72xf32, #tpu.memory_space<hbm>>, %arg7: memref<2x10112x72xf32, #tpu.memory_space<hbm>>, %arg8: memref<160x128xi32, #tpu.memory_space<vmem>>, %arg9: memref<160x128xi32, #tpu.memory_space<vmem>>, %arg10: memref<128x72xf32, #tpu.memory_space<vmem>>, %arg11: memref<128x72xf32, #tpu.memory_space<vmem>>, %arg12: memref<10112x72xf32, #tpu.memory_space<vmem_shared>>, %arg13: memref<!tpu.dma_semaphore, #tpu.memory_space<semaphore_mem>>, %arg14: memref<!tpu.dma_semaphore, #tpu.memory_space<semaphore_mem>>) attributes {dimension_semantics = [#tpu.dimension_semantics<core_parallel>, #tpu.dimension_semantics<subcore_parallel>], iteration_bounds = array<i64: 2, 16>, scalar_prefetch = 0 : i64, scratch_operands = 7 : i64, tpu.core_type = #tpu.core_type<sc_vector_subcore>, window_params = [{transform_indices = #map}, {transform_indices = #map}, {transform_indices = #map}, {transform_indices = #map}, {transform_indices = #map}, {transform_indices = #map1}]} {
    %mul3A = arith.constant 632 : i32
    %mul3A_0 = arith.muli %arg1, %mul3A : i32
    "tpu.region"() ({
      %run_scoped3A = tpu.sem_alloc : memref<!tpu.dma_semaphore, #tpu.memory_space<semaphore_mem>>
      %dma_start3A = arith.constant 0 : i32
      %dma_start3A_17 = tpu.memref_slice %arg12[%mul3A_0, %dma_start3A] : memref<10112x72xf32, #tpu.memory_space<vmem_shared>> -> memref<632x72xf32, #tpu.memory_space<vmem_shared>>
      tpu.enqueue_dma source(%arg6 : memref<632x72xf32, #tpu.memory_space<hbm>>) target(%dma_start3A_17 : memref<632x72xf32, #tpu.memory_space<vmem_shared>>) target_semaphore(%run_scoped3A : memref<!tpu.dma_semaphore, #tpu.memory_space<semaphore_mem>>)
      %dma_wait3A = arith.constant 0 : i32
      %dma_wait3A_18 = tpu.memref_slice %arg12[%mul3A_0, %dma_wait3A] : memref<10112x72xf32, #tpu.memory_space<vmem_shared>> -> memref<632x72xf32, #tpu.memory_space<vmem_shared>>
      tpu.wait_dma2 semaphore(%run_scoped3A : memref<!tpu.dma_semaphore, #tpu.memory_space<semaphore_mem>>) src(%arg6 : memref<632x72xf32, #tpu.memory_space<hbm>>) dst(%dma_wait3A_18 : memref<632x72xf32, #tpu.memory_space<vmem_shared>>)
      tpu.yield
    }) : () -> ()
    %mul3A_1 = arith.constant 160 : i32
    %mul3A_2 = arith.muli %arg1, %mul3A_1 : i32
    "tpu.region"() ({
      %run_scoped3A = tpu.sem_alloc : memref<!tpu.dma_semaphore, #tpu.memory_space<semaphore_mem>>
      %dma_start3A = arith.constant 0 : i32
      %dma_start3A_17 = tpu.memref_slice %arg4[%mul3A_2, %dma_start3A] : memref<2560x128xi32, #tpu.memory_space<hbm>> -> memref<160x128xi32, #tpu.memory_space<hbm>>
      %dma_start3A_18 = arith.constant 0 : i32
      %dma_start3A_19 = tpu.memref_slice %arg4[%mul3A_2, %dma_start3A_18] : memref<2560x128xi32, #tpu.memory_space<hbm>> -> memref<160x128xi32, #tpu.memory_space<hbm>>
      tpu.enqueue_dma source(%dma_start3A_19 : memref<160x128xi32, #tpu.memory_space<hbm>>) target(%arg8 : memref<160x128xi32, #tpu.memory_space<vmem>>) target_semaphore(%run_scoped3A : memref<!tpu.dma_semaphore, #tpu.memory_space<semaphore_mem>>)
      %dma_wait3A = arith.constant 0 : i32
      %dma_wait3A_20 = tpu.memref_slice %arg4[%mul3A_2, %dma_wait3A] : memref<2560x128xi32, #tpu.memory_space<hbm>> -> memref<160x128xi32, #tpu.memory_space<hbm>>
      %dma_wait3A_21 = arith.constant 0 : i32
      %dma_wait3A_22 = tpu.memref_slice %arg4[%mul3A_2, %dma_wait3A_21] : memref<2560x128xi32, #tpu.memory_space<hbm>> -> memref<160x128xi32, #tpu.memory_space<hbm>>
      tpu.wait_dma2 semaphore(%run_scoped3A : memref<!tpu.dma_semaphore, #tpu.memory_space<semaphore_mem>>) src(%dma_wait3A_22 : memref<160x128xi32, #tpu.memory_space<hbm>>) dst(%arg8 : memref<160x128xi32, #tpu.memory_space<vmem>>)
      tpu.yield
    }) : () -> ()
    %mul3A_3 = arith.constant 160 : i32
    %mul3A_4 = arith.muli %arg1, %mul3A_3 : i32
    "tpu.region"() ({
      %run_scoped3A = tpu.sem_alloc : memref<!tpu.dma_semaphore, #tpu.memory_space<semaphore_mem>>
      %dma_start3A = arith.constant 0 : i32
      %dma_start3A_17 = tpu.memref_slice %arg5[%mul3A_4, %dma_start3A] : memref<2560x128xi32, #tpu.memory_space<hbm>> -> memref<160x128xi32, #tpu.memory_space<hbm>>
      %dma_start3A_18 = arith.constant 0 : i32
      %dma_start3A_19 = tpu.memref_slice %arg5[%mul3A_4, %dma_start3A_18] : memref<2560x128xi32, #tpu.memory_space<hbm>> -> memref<160x128xi32, #tpu.memory_space<hbm>>
      tpu.enqueue_dma source(%dma_start3A_19 : memref<160x128xi32, #tpu.memory_space<hbm>>) target(%arg9 : memref<160x128xi32, #tpu.memory_space<vmem>>) target_semaphore(%run_scoped3A : memref<!tpu.dma_semaphore, #tpu.memory_space<semaphore_mem>>)
      %dma_wait3A = arith.constant 0 : i32
      %dma_wait3A_20 = tpu.memref_slice %arg5[%mul3A_4, %dma_wait3A] : memref<2560x128xi32, #tpu.memory_space<hbm>> -> memref<160x128xi32, #tpu.memory_space<hbm>>
      %dma_wait3A_21 = arith.constant 0 : i32
      %dma_wait3A_22 = tpu.memref_slice %arg5[%mul3A_4, %dma_wait3A_21] : memref<2560x128xi32, #tpu.memory_space<hbm>> -> memref<160x128xi32, #tpu.memory_space<hbm>>
      tpu.wait_dma2 semaphore(%run_scoped3A : memref<!tpu.dma_semaphore, #tpu.memory_space<semaphore_mem>>) src(%dma_wait3A_22 : memref<160x128xi32, #tpu.memory_space<hbm>>) dst(%arg9 : memref<160x128xi32, #tpu.memory_space<vmem>>)
      tpu.yield
    }) : () -> ()
    %barrier3A = arith.constant 0 : index
    tpu.barrier barrier_id(%barrier3A)
    %eq3A = arith.constant 0 : i32
    %eq3A_5 = arith.cmpi eq, %arg0, %eq3A : i32
    %convert_element_type3A = arith.extui %eq3A_5 : i1 to i32
    %cond3A = arith.constant 0 : i32
    %cond3A_6 = arith.cmpi ne, %convert_element_type3A, %cond3A : i32
    scf.if %cond3A_6 {
      %dma_start3A = arith.constant 0 : i32
      %dma_start3A_17 = arith.constant 0 : i32
      %dma_start3A_18 = tpu.memref_slice %arg8[%dma_start3A, %dma_start3A_17] : memref<160x128xi32, #tpu.memory_space<vmem>> -> memref<1x128xi32, #tpu.memory_space<vmem>>
      %dma_start3A_19 = tpu.memref_squeeze %dma_start3A_18 : memref<1x128xi32, #tpu.memory_space<vmem>> -> memref<128xi32, #tpu.memory_space<vmem>>
      %dma_start3A_20 = arith.constant 0 : i32
      %dma_start3A_21 = arith.constant 0 : i32
      %dma_start3A_22 = tpu.memref_slice %arg2[%dma_start3A_20, %dma_start3A_21] : memref<10112x72xf32, #tpu.memory_space<hbm>> -> memref<10112x72xf32, #tpu.memory_space<hbm>>
      tpu.enqueue_indirect_dma source(%dma_start3A_22 : memref<10112x72xf32, #tpu.memory_space<hbm>>) target(%arg10 : memref<128x72xf32, #tpu.memory_space<vmem>>) offsets(%dma_start3A_19 : memref<128xi32, #tpu.memory_space<vmem>>) semaphore(%arg13 : memref<!tpu.dma_semaphore, #tpu.memory_space<semaphore_mem>>)
      %scan3A = arith.constant 0 : i32
      %scan3A_23 = arith.constant 80 : i32
      %scan3A_24 = arith.addi %scan3A, %scan3A_23 : i32
      %scan3A_25 = arith.constant 1 : i32
      scf.for %scan3A_27 = %scan3A to %scan3A_24 step %scan3A_25  : i32 {
        %mul3A_28 = arith.constant 2 : i32
        %mul3A_29 = arith.muli %scan3A_27, %mul3A_28 : i32
        %add3A = arith.constant 0 : i32
        %add3A_30 = arith.addi %add3A, %mul3A_29 : i32
        %add3A_31 = arith.constant 1 : i32
        %add3A_32 = arith.addi %add3A_30, %add3A_31 : i32
        %dma_start3A_33 = arith.constant 0 : i32
        %dma_start3A_34 = tpu.memref_slice %arg8[%add3A_32, %dma_start3A_33] : memref<160x128xi32, #tpu.memory_space<vmem>> -> memref<1x128xi32, #tpu.memory_space<vmem>>
        %dma_start3A_35 = tpu.memref_squeeze %dma_start3A_34 : memref<1x128xi32, #tpu.memory_space<vmem>> -> memref<128xi32, #tpu.memory_space<vmem>>
        %dma_start3A_36 = arith.constant 0 : i32
        %dma_start3A_37 = arith.constant 0 : i32
        %dma_start3A_38 = tpu.memref_slice %arg2[%dma_start3A_36, %dma_start3A_37] : memref<10112x72xf32, #tpu.memory_space<hbm>> -> memref<10112x72xf32, #tpu.memory_space<hbm>>
        tpu.enqueue_indirect_dma source(%dma_start3A_38 : memref<10112x72xf32, #tpu.memory_space<hbm>>) target(%arg11 : memref<128x72xf32, #tpu.memory_space<vmem>>) offsets(%dma_start3A_35 : memref<128xi32, #tpu.memory_space<vmem>>) semaphore(%arg14 : memref<!tpu.dma_semaphore, #tpu.memory_space<semaphore_mem>>)
        %dma_wait3A = arith.constant 0 : i32
        %dma_wait3A_39 = tpu.memref_slice %arg8[%add3A_30, %dma_wait3A] : memref<160x128xi32, #tpu.memory_space<vmem>> -> memref<1x128xi32, #tpu.memory_space<vmem>>
        %dma_wait3A_40 = tpu.memref_squeeze %dma_wait3A_39 : memref<1x128xi32, #tpu.memory_space<vmem>> -> memref<128xi32, #tpu.memory_space<vmem>>
        %dma_wait3A_41 = arith.constant 0 : i32
        %dma_wait3A_42 = arith.constant 0 : i32
        %dma_wait3A_43 = tpu.memref_slice %arg2[%dma_wait3A_41, %dma_wait3A_42] : memref<10112x72xf32, #tpu.memory_space<hbm>> -> memref<10112x72xf32, #tpu.memory_space<hbm>>
        tpu.wait_indirect_dma semaphore(%arg13 : memref<!tpu.dma_semaphore, #tpu.memory_space<semaphore_mem>>) src(%dma_wait3A_43 : memref<10112x72xf32, #tpu.memory_space<hbm>>) dst(%arg10 : memref<128x72xf32, #tpu.memory_space<vmem>>)
        "tpu.region"() ({
          %run_scoped3A = tpu.sem_alloc : memref<!tpu.dma_semaphore, #tpu.memory_space<semaphore_mem>>
          %dma_start3A_60 = arith.constant 0 : i32
          %dma_start3A_61 = tpu.memref_slice %arg9[%add3A_30, %dma_start3A_60] : memref<160x128xi32, #tpu.memory_space<vmem>> -> memref<1x128xi32, #tpu.memory_space<vmem>>
          %dma_start3A_62 = tpu.memref_squeeze %dma_start3A_61 : memref<1x128xi32, #tpu.memory_space<vmem>> -> memref<128xi32, #tpu.memory_space<vmem>>
          %dma_start3A_63 = arith.constant 0 : i32
          %dma_start3A_64 = arith.constant 0 : i32
          %dma_start3A_65 = tpu.memref_slice %arg12[%dma_start3A_63, %dma_start3A_64] : memref<10112x72xf32, #tpu.memory_space<vmem_shared>> -> memref<10112x72xf32, #tpu.memory_space<vmem_shared>>
          tpu.enqueue_indirect_dma source(%arg10 : memref<128x72xf32, #tpu.memory_space<vmem>>) target(%dma_start3A_65 : memref<10112x72xf32, #tpu.memory_space<vmem_shared>>) offsets(%dma_start3A_62 : memref<128xi32, #tpu.memory_space<vmem>>) semaphore(%run_scoped3A : memref<!tpu.dma_semaphore, #tpu.memory_space<semaphore_mem>>) {add = true}
          %dma_wait3A_66 = arith.constant 0 : i32
          %dma_wait3A_67 = tpu.memref_slice %arg9[%add3A_30, %dma_wait3A_66] : memref<160x128xi32, #tpu.memory_space<vmem>> -> memref<1x128xi32, #tpu.memory_space<vmem>>
          %dma_wait3A_68 = tpu.memref_squeeze %dma_wait3A_67 : memref<1x128xi32, #tpu.memory_space<vmem>> -> memref<128xi32, #tpu.memory_space<vmem>>
          %dma_wait3A_69 = arith.constant 0 : i32
          %dma_wait3A_70 = arith.constant 0 : i32
          %dma_wait3A_71 = tpu.memref_slice %arg12[%dma_wait3A_69, %dma_wait3A_70] : memref<10112x72xf32, #tpu.memory_space<vmem_shared>> -> memref<10112x72xf32, #tpu.memory_space<vmem_shared>>
          tpu.wait_indirect_dma semaphore(%run_scoped3A : memref<!tpu.dma_semaphore, #tpu.memory_space<semaphore_mem>>) src(%arg10 : memref<128x72xf32, #tpu.memory_space<vmem>>) dst(%dma_wait3A_71 : memref<10112x72xf32, #tpu.memory_space<vmem_shared>>)
          tpu.yield
        }) : () -> ()
        %add3A_44 = arith.constant 2 : i32
        %add3A_45 = arith.addi %add3A_30, %add3A_44 : i32
        %lt3A = arith.constant 160 : i32
        %lt3A_46 = arith.cmpi slt, %add3A_45, %lt3A : i32
        %convert_element_type3A_47 = arith.extui %lt3A_46 : i1 to i32
        %cond3A_48 = arith.constant 0 : i32
        %cond3A_49 = arith.cmpi ne, %convert_element_type3A_47, %cond3A_48 : i32
        scf.if %cond3A_49 {
          %add3A_60 = arith.constant 2 : i32
          %add3A_61 = arith.addi %add3A_30, %add3A_60 : i32
          %dma_start3A_62 = arith.constant 0 : i32
          %dma_start3A_63 = tpu.memref_slice %arg8[%add3A_61, %dma_start3A_62] : memref<160x128xi32, #tpu.memory_space<vmem>> -> memref<1x128xi32, #tpu.memory_space<vmem>>
          %dma_start3A_64 = tpu.memref_squeeze %dma_start3A_63 : memref<1x128xi32, #tpu.memory_space<vmem>> -> memref<128xi32, #tpu.memory_space<vmem>>
          %dma_start3A_65 = arith.constant 0 : i32
          %dma_start3A_66 = arith.constant 0 : i32
          %dma_start3A_67 = tpu.memref_slice %arg2[%dma_start3A_65, %dma_start3A_66] : memref<10112x72xf32, #tpu.memory_space<hbm>> -> memref<10112x72xf32, #tpu.memory_space<hbm>>
          tpu.enqueue_indirect_dma source(%dma_start3A_67 : memref<10112x72xf32, #tpu.memory_space<hbm>>) target(%arg10 : memref<128x72xf32, #tpu.memory_space<vmem>>) offsets(%dma_start3A_64 : memref<128xi32, #tpu.memory_space<vmem>>) semaphore(%arg13 : memref<!tpu.dma_semaphore, #tpu.memory_space<semaphore_mem>>)
        } else {
        }
        %add3A_50 = arith.constant 1 : i32
        %add3A_51 = arith.addi %add3A_30, %add3A_50 : i32
        %dma_wait3A_52 = arith.constant 0 : i32
        %dma_wait3A_53 = tpu.memref_slice %arg8[%add3A_51, %dma_wait3A_52] : memref<160x128xi32, #tpu.memory_space<vmem>> -> memref<1x128xi32, #tpu.memory_space<vmem>>
        %dma_wait3A_54 = tpu.memref_squeeze %dma_wait3A_53 : memref<1x128xi32, #tpu.memory_space<vmem>> -> memref<128xi32, #tpu.memory_space<vmem>>
        %dma_wait3A_55 = arith.constant 0 : i32
        %dma_wait3A_56 = arith.constant 0 : i32
        %dma_wait3A_57 = tpu.memref_slice %arg2[%dma_wait3A_55, %dma_wait3A_56] : memref<10112x72xf32, #tpu.memory_space<hbm>> -> memref<10112x72xf32, #tpu.memory_space<hbm>>
        tpu.wait_indirect_dma semaphore(%arg14 : memref<!tpu.dma_semaphore, #tpu.memory_space<semaphore_mem>>) src(%dma_wait3A_57 : memref<10112x72xf32, #tpu.memory_space<hbm>>) dst(%arg11 : memref<128x72xf32, #tpu.memory_space<vmem>>)
        %add3A_58 = arith.constant 1 : i32
        %add3A_59 = arith.addi %add3A_30, %add3A_58 : i32
        "tpu.region"() ({
          %run_scoped3A = tpu.sem_alloc : memref<!tpu.dma_semaphore, #tpu.memory_space<semaphore_mem>>
          %dma_start3A_60 = arith.constant 0 : i32
          %dma_start3A_61 = tpu.memref_slice %arg9[%add3A_59, %dma_start3A_60] : memref<160x128xi32, #tpu.memory_space<vmem>> -> memref<1x128xi32, #tpu.memory_space<vmem>>
          %dma_start3A_62 = tpu.memref_squeeze %dma_start3A_61 : memref<1x128xi32, #tpu.memory_space<vmem>> -> memref<128xi32, #tpu.memory_space<vmem>>
          %dma_start3A_63 = arith.constant 0 : i32
          %dma_start3A_64 = arith.constant 0 : i32
          %dma_start3A_65 = tpu.memref_slice %arg12[%dma_start3A_63, %dma_start3A_64] : memref<10112x72xf32, #tpu.memory_space<vmem_shared>> -> memref<10112x72xf32, #tpu.memory_space<vmem_shared>>
          tpu.enqueue_indirect_dma source(%arg11 : memref<128x72xf32, #tpu.memory_space<vmem>>) target(%dma_start3A_65 : memref<10112x72xf32, #tpu.memory_space<vmem_shared>>) offsets(%dma_start3A_62 : memref<128xi32, #tpu.memory_space<vmem>>) semaphore(%run_scoped3A : memref<!tpu.dma_semaphore, #tpu.memory_space<semaphore_mem>>) {add = true}
          %dma_wait3A_66 = arith.constant 0 : i32
          %dma_wait3A_67 = tpu.memref_slice %arg9[%add3A_59, %dma_wait3A_66] : memref<160x128xi32, #tpu.memory_space<vmem>> -> memref<1x128xi32, #tpu.memory_space<vmem>>
          %dma_wait3A_68 = tpu.memref_squeeze %dma_wait3A_67 : memref<1x128xi32, #tpu.memory_space<vmem>> -> memref<128xi32, #tpu.memory_space<vmem>>
          %dma_wait3A_69 = arith.constant 0 : i32
          %dma_wait3A_70 = arith.constant 0 : i32
          %dma_wait3A_71 = tpu.memref_slice %arg12[%dma_wait3A_69, %dma_wait3A_70] : memref<10112x72xf32, #tpu.memory_space<vmem_shared>> -> memref<10112x72xf32, #tpu.memory_space<vmem_shared>>
          tpu.wait_indirect_dma semaphore(%run_scoped3A : memref<!tpu.dma_semaphore, #tpu.memory_space<semaphore_mem>>) src(%arg11 : memref<128x72xf32, #tpu.memory_space<vmem>>) dst(%dma_wait3A_71 : memref<10112x72xf32, #tpu.memory_space<vmem_shared>>)
          tpu.yield
        }) : () -> ()
      }
      %scan3A_26 = arith.constant 80 : i32
    } else {
    }
    %eq3A_7 = arith.constant 1 : i32
    %eq3A_8 = arith.cmpi eq, %arg0, %eq3A_7 : i32
    %convert_element_type3A_9 = arith.extui %eq3A_8 : i1 to i32
    %cond3A_10 = arith.constant 0 : i32
    %cond3A_11 = arith.cmpi ne, %convert_element_type3A_9, %cond3A_10 : i32
    scf.if %cond3A_11 {
      %dma_start3A = arith.constant 0 : i32
      %dma_start3A_17 = arith.constant 0 : i32
      %dma_start3A_18 = tpu.memref_slice %arg8[%dma_start3A, %dma_start3A_17] : memref<160x128xi32, #tpu.memory_space<vmem>> -> memref<1x128xi32, #tpu.memory_space<vmem>>
      %dma_start3A_19 = tpu.memref_squeeze %dma_start3A_18 : memref<1x128xi32, #tpu.memory_space<vmem>> -> memref<128xi32, #tpu.memory_space<vmem>>
      %dma_start3A_20 = arith.constant 0 : i32
      %dma_start3A_21 = arith.constant 0 : i32
      %dma_start3A_22 = tpu.memref_slice %arg3[%dma_start3A_20, %dma_start3A_21] : memref<10112x72xf32, #tpu.memory_space<hbm>> -> memref<10112x72xf32, #tpu.memory_space<hbm>>
      tpu.enqueue_indirect_dma source(%dma_start3A_22 : memref<10112x72xf32, #tpu.memory_space<hbm>>) target(%arg10 : memref<128x72xf32, #tpu.memory_space<vmem>>) offsets(%dma_start3A_19 : memref<128xi32, #tpu.memory_space<vmem>>) semaphore(%arg13 : memref<!tpu.dma_semaphore, #tpu.memory_space<semaphore_mem>>)
      %scan3A = arith.constant 0 : i32
      %scan3A_23 = arith.constant 80 : i32
      %scan3A_24 = arith.addi %scan3A, %scan3A_23 : i32
      %scan3A_25 = arith.constant 1 : i32
      scf.for %scan3A_27 = %scan3A to %scan3A_24 step %scan3A_25  : i32 {
        %mul3A_28 = arith.constant 2 : i32
        %mul3A_29 = arith.muli %scan3A_27, %mul3A_28 : i32
        %add3A = arith.constant 0 : i32
        %add3A_30 = arith.addi %add3A, %mul3A_29 : i32
        %add3A_31 = arith.constant 1 : i32
        %add3A_32 = arith.addi %add3A_30, %add3A_31 : i32
        %dma_start3A_33 = arith.constant 0 : i32
        %dma_start3A_34 = tpu.memref_slice %arg8[%add3A_32, %dma_start3A_33] : memref<160x128xi32, #tpu.memory_space<vmem>> -> memref<1x128xi32, #tpu.memory_space<vmem>>
        %dma_start3A_35 = tpu.memref_squeeze %dma_start3A_34 : memref<1x128xi32, #tpu.memory_space<vmem>> -> memref<128xi32, #tpu.memory_space<vmem>>
        %dma_start3A_36 = arith.constant 0 : i32
        %dma_start3A_37 = arith.constant 0 : i32
        %dma_start3A_38 = tpu.memref_slice %arg3[%dma_start3A_36, %dma_start3A_37] : memref<10112x72xf32, #tpu.memory_space<hbm>> -> memref<10112x72xf32, #tpu.memory_space<hbm>>
        tpu.enqueue_indirect_dma source(%dma_start3A_38 : memref<10112x72xf32, #tpu.memory_space<hbm>>) target(%arg11 : memref<128x72xf32, #tpu.memory_space<vmem>>) offsets(%dma_start3A_35 : memref<128xi32, #tpu.memory_space<vmem>>) semaphore(%arg14 : memref<!tpu.dma_semaphore, #tpu.memory_space<semaphore_mem>>)
        %dma_wait3A = arith.constant 0 : i32
        %dma_wait3A_39 = tpu.memref_slice %arg8[%add3A_30, %dma_wait3A] : memref<160x128xi32, #tpu.memory_space<vmem>> -> memref<1x128xi32, #tpu.memory_space<vmem>>
        %dma_wait3A_40 = tpu.memref_squeeze %dma_wait3A_39 : memref<1x128xi32, #tpu.memory_space<vmem>> -> memref<128xi32, #tpu.memory_space<vmem>>
        %dma_wait3A_41 = arith.constant 0 : i32
        %dma_wait3A_42 = arith.constant 0 : i32
        %dma_wait3A_43 = tpu.memref_slice %arg3[%dma_wait3A_41, %dma_wait3A_42] : memref<10112x72xf32, #tpu.memory_space<hbm>> -> memref<10112x72xf32, #tpu.memory_space<hbm>>
        tpu.wait_indirect_dma semaphore(%arg13 : memref<!tpu.dma_semaphore, #tpu.memory_space<semaphore_mem>>) src(%dma_wait3A_43 : memref<10112x72xf32, #tpu.memory_space<hbm>>) dst(%arg10 : memref<128x72xf32, #tpu.memory_space<vmem>>)
        "tpu.region"() ({
          %run_scoped3A = tpu.sem_alloc : memref<!tpu.dma_semaphore, #tpu.memory_space<semaphore_mem>>
          %dma_start3A_60 = arith.constant 0 : i32
          %dma_start3A_61 = tpu.memref_slice %arg9[%add3A_30, %dma_start3A_60] : memref<160x128xi32, #tpu.memory_space<vmem>> -> memref<1x128xi32, #tpu.memory_space<vmem>>
          %dma_start3A_62 = tpu.memref_squeeze %dma_start3A_61 : memref<1x128xi32, #tpu.memory_space<vmem>> -> memref<128xi32, #tpu.memory_space<vmem>>
          %dma_start3A_63 = arith.constant 0 : i32
          %dma_start3A_64 = arith.constant 0 : i32
          %dma_start3A_65 = tpu.memref_slice %arg12[%dma_start3A_63, %dma_start3A_64] : memref<10112x72xf32, #tpu.memory_space<vmem_shared>> -> memref<10112x72xf32, #tpu.memory_space<vmem_shared>>
          tpu.enqueue_indirect_dma source(%arg10 : memref<128x72xf32, #tpu.memory_space<vmem>>) target(%dma_start3A_65 : memref<10112x72xf32, #tpu.memory_space<vmem_shared>>) offsets(%dma_start3A_62 : memref<128xi32, #tpu.memory_space<vmem>>) semaphore(%run_scoped3A : memref<!tpu.dma_semaphore, #tpu.memory_space<semaphore_mem>>) {add = true}
          %dma_wait3A_66 = arith.constant 0 : i32
          %dma_wait3A_67 = tpu.memref_slice %arg9[%add3A_30, %dma_wait3A_66] : memref<160x128xi32, #tpu.memory_space<vmem>> -> memref<1x128xi32, #tpu.memory_space<vmem>>
          %dma_wait3A_68 = tpu.memref_squeeze %dma_wait3A_67 : memref<1x128xi32, #tpu.memory_space<vmem>> -> memref<128xi32, #tpu.memory_space<vmem>>
          %dma_wait3A_69 = arith.constant 0 : i32
          %dma_wait3A_70 = arith.constant 0 : i32
          %dma_wait3A_71 = tpu.memref_slice %arg12[%dma_wait3A_69, %dma_wait3A_70] : memref<10112x72xf32, #tpu.memory_space<vmem_shared>> -> memref<10112x72xf32, #tpu.memory_space<vmem_shared>>
          tpu.wait_indirect_dma semaphore(%run_scoped3A : memref<!tpu.dma_semaphore, #tpu.memory_space<semaphore_mem>>) src(%arg10 : memref<128x72xf32, #tpu.memory_space<vmem>>) dst(%dma_wait3A_71 : memref<10112x72xf32, #tpu.memory_space<vmem_shared>>)
          tpu.yield
        }) : () -> ()
        %add3A_44 = arith.constant 2 : i32
        %add3A_45 = arith.addi %add3A_30, %add3A_44 : i32
        %lt3A = arith.constant 160 : i32
        %lt3A_46 = arith.cmpi slt, %add3A_45, %lt3A : i32
        %convert_element_type3A_47 = arith.extui %lt3A_46 : i1 to i32
        %cond3A_48 = arith.constant 0 : i32
        %cond3A_49 = arith.cmpi ne, %convert_element_type3A_47, %cond3A_48 : i32
        scf.if %cond3A_49 {
          %add3A_60 = arith.constant 2 : i32
          %add3A_61 = arith.addi %add3A_30, %add3A_60 : i32
          %dma_start3A_62 = arith.constant 0 : i32
          %dma_start3A_63 = tpu.memref_slice %arg8[%add3A_61, %dma_start3A_62] : memref<160x128xi32, #tpu.memory_space<vmem>> -> memref<1x128xi32, #tpu.memory_space<vmem>>
          %dma_start3A_64 = tpu.memref_squeeze %dma_start3A_63 : memref<1x128xi32, #tpu.memory_space<vmem>> -> memref<128xi32, #tpu.memory_space<vmem>>
          %dma_start3A_65 = arith.constant 0 : i32
          %dma_start3A_66 = arith.constant 0 : i32
          %dma_start3A_67 = tpu.memref_slice %arg3[%dma_start3A_65, %dma_start3A_66] : memref<10112x72xf32, #tpu.memory_space<hbm>> -> memref<10112x72xf32, #tpu.memory_space<hbm>>
          tpu.enqueue_indirect_dma source(%dma_start3A_67 : memref<10112x72xf32, #tpu.memory_space<hbm>>) target(%arg10 : memref<128x72xf32, #tpu.memory_space<vmem>>) offsets(%dma_start3A_64 : memref<128xi32, #tpu.memory_space<vmem>>) semaphore(%arg13 : memref<!tpu.dma_semaphore, #tpu.memory_space<semaphore_mem>>)
        } else {
        }
        %add3A_50 = arith.constant 1 : i32
        %add3A_51 = arith.addi %add3A_30, %add3A_50 : i32
        %dma_wait3A_52 = arith.constant 0 : i32
        %dma_wait3A_53 = tpu.memref_slice %arg8[%add3A_51, %dma_wait3A_52] : memref<160x128xi32, #tpu.memory_space<vmem>> -> memref<1x128xi32, #tpu.memory_space<vmem>>
        %dma_wait3A_54 = tpu.memref_squeeze %dma_wait3A_53 : memref<1x128xi32, #tpu.memory_space<vmem>> -> memref<128xi32, #tpu.memory_space<vmem>>
        %dma_wait3A_55 = arith.constant 0 : i32
        %dma_wait3A_56 = arith.constant 0 : i32
        %dma_wait3A_57 = tpu.memref_slice %arg3[%dma_wait3A_55, %dma_wait3A_56] : memref<10112x72xf32, #tpu.memory_space<hbm>> -> memref<10112x72xf32, #tpu.memory_space<hbm>>
        tpu.wait_indirect_dma semaphore(%arg14 : memref<!tpu.dma_semaphore, #tpu.memory_space<semaphore_mem>>) src(%dma_wait3A_57 : memref<10112x72xf32, #tpu.memory_space<hbm>>) dst(%arg11 : memref<128x72xf32, #tpu.memory_space<vmem>>)
        %add3A_58 = arith.constant 1 : i32
        %add3A_59 = arith.addi %add3A_30, %add3A_58 : i32
        "tpu.region"() ({
          %run_scoped3A = tpu.sem_alloc : memref<!tpu.dma_semaphore, #tpu.memory_space<semaphore_mem>>
          %dma_start3A_60 = arith.constant 0 : i32
          %dma_start3A_61 = tpu.memref_slice %arg9[%add3A_59, %dma_start3A_60] : memref<160x128xi32, #tpu.memory_space<vmem>> -> memref<1x128xi32, #tpu.memory_space<vmem>>
          %dma_start3A_62 = tpu.memref_squeeze %dma_start3A_61 : memref<1x128xi32, #tpu.memory_space<vmem>> -> memref<128xi32, #tpu.memory_space<vmem>>
          %dma_start3A_63 = arith.constant 0 : i32
          %dma_start3A_64 = arith.constant 0 : i32
          %dma_start3A_65 = tpu.memref_slice %arg12[%dma_start3A_63, %dma_start3A_64] : memref<10112x72xf32, #tpu.memory_space<vmem_shared>> -> memref<10112x72xf32, #tpu.memory_space<vmem_shared>>
          tpu.enqueue_indirect_dma source(%arg11 : memref<128x72xf32, #tpu.memory_space<vmem>>) target(%dma_start3A_65 : memref<10112x72xf32, #tpu.memory_space<vmem_shared>>) offsets(%dma_start3A_62 : memref<128xi32, #tpu.memory_space<vmem>>) semaphore(%run_scoped3A : memref<!tpu.dma_semaphore, #tpu.memory_space<semaphore_mem>>) {add = true}
          %dma_wait3A_66 = arith.constant 0 : i32
          %dma_wait3A_67 = tpu.memref_slice %arg9[%add3A_59, %dma_wait3A_66] : memref<160x128xi32, #tpu.memory_space<vmem>> -> memref<1x128xi32, #tpu.memory_space<vmem>>
          %dma_wait3A_68 = tpu.memref_squeeze %dma_wait3A_67 : memref<1x128xi32, #tpu.memory_space<vmem>> -> memref<128xi32, #tpu.memory_space<vmem>>
          %dma_wait3A_69 = arith.constant 0 : i32
          %dma_wait3A_70 = arith.constant 0 : i32
          %dma_wait3A_71 = tpu.memref_slice %arg12[%dma_wait3A_69, %dma_wait3A_70] : memref<10112x72xf32, #tpu.memory_space<vmem_shared>> -> memref<10112x72xf32, #tpu.memory_space<vmem_shared>>
          tpu.wait_indirect_dma semaphore(%run_scoped3A : memref<!tpu.dma_semaphore, #tpu.memory_space<semaphore_mem>>) src(%arg11 : memref<128x72xf32, #tpu.memory_space<vmem>>) dst(%dma_wait3A_71 : memref<10112x72xf32, #tpu.memory_space<vmem_shared>>)
          tpu.yield
        }) : () -> ()
      }
      %scan3A_26 = arith.constant 80 : i32
    } else {
    }
    %barrier3A_12 = arith.constant 0 : index
    tpu.barrier barrier_id(%barrier3A_12)
    %mul3A_13 = arith.constant 632 : i32
    %mul3A_14 = arith.muli %arg1, %mul3A_13 : i32
    %mul3A_15 = arith.constant 632 : i32
    %mul3A_16 = arith.muli %arg1, %mul3A_15 : i32
    "tpu.region"() ({
      %run_scoped3A = tpu.sem_alloc : memref<!tpu.dma_semaphore, #tpu.memory_space<semaphore_mem>>
      %dma_start3A = arith.constant 0 : i32
      %dma_start3A_17 = tpu.memref_slice %arg7[%arg0, %mul3A_16, %dma_start3A] : memref<2x10112x72xf32, #tpu.memory_space<hbm>> -> memref<1x632x72xf32, #tpu.memory_space<hbm>>
      %dma_start3A_18 = tpu.memref_squeeze %dma_start3A_17 : memref<1x632x72xf32, #tpu.memory_space<hbm>> -> memref<632x72xf32, #tpu.memory_space<hbm>>
      %dma_start3A_19 = arith.constant 0 : i32
      %dma_start3A_20 = tpu.memref_slice %arg12[%mul3A_14, %dma_start3A_19] : memref<10112x72xf32, #tpu.memory_space<vmem_shared>> -> memref<632x72xf32, #tpu.memory_space<vmem_shared>>
      tpu.enqueue_dma source(%dma_start3A_20 : memref<632x72xf32, #tpu.memory_space<vmem_shared>>) target(%dma_start3A_18 : memref<632x72xf32, #tpu.memory_space<hbm>>) target_semaphore(%run_scoped3A : memref<!tpu.dma_semaphore, #tpu.memory_space<semaphore_mem>>)
      %dma_wait3A = arith.constant 0 : i32
      %dma_wait3A_21 = tpu.memref_slice %arg7[%arg0, %mul3A_16, %dma_wait3A] : memref<2x10112x72xf32, #tpu.memory_space<hbm>> -> memref<1x632x72xf32, #tpu.memory_space<hbm>>
      %dma_wait3A_22 = tpu.memref_squeeze %dma_wait3A_21 : memref<1x632x72xf32, #tpu.memory_space<hbm>> -> memref<632x72xf32, #tpu.memory_space<hbm>>
      %dma_wait3A_23 = arith.constant 0 : i32
      %dma_wait3A_24 = tpu.memref_slice %arg12[%mul3A_14, %dma_wait3A_23] : memref<10112x72xf32, #tpu.memory_space<vmem_shared>> -> memref<632x72xf32, #tpu.memory_space<vmem_shared>>
      tpu.wait_dma2 semaphore(%run_scoped3A : memref<!tpu.dma_semaphore, #tpu.memory_space<semaphore_mem>>) src(%dma_wait3A_24 : memref<632x72xf32, #tpu.memory_space<vmem_shared>>) dst(%dma_wait3A_22 : memref<632x72xf32, #tpu.memory_space<hbm>>)
      tpu.yield
    }) : () -> ()
    return
  }
}

module attributes {stable_mosaic.version = 14 : i64} {
  func.func @_tc1_body(%arg0: i32, %arg1: memref<2x632x72xf32, #tpu.memory_space<vmem>>, %arg2: memref<632x128xf32, #tpu.memory_space<vmem>>, %arg3: memref<72x128xf32, #tpu.memory_space<vmem>>, %arg4: memref<56x128xf32, #tpu.memory_space<vmem>>, %arg5: memref<1x128xf32, #tpu.memory_space<vmem>>, %arg6: memref<128x128xf32, #tpu.memory_space<vmem>>, %arg7: memref<128x64xf32, #tpu.memory_space<vmem>>, %arg8: memref<128x64xf32, #tpu.memory_space<vmem>>, %arg9: memref<1x64xf32, #tpu.memory_space<vmem>>, %arg10: memref<632x32xf32, #tpu.memory_space<vmem>>, %arg11: memref<632x32xf32, #tpu.memory_space<vmem>>, %arg12: memref<632x128xf32, #tpu.memory_space<vmem>>) attributes {dimension_semantics = [#tpu.dimension_semantics<arbitrary>], iteration_bounds = array<i64: 16>, scalar_prefetch = 0 : i64, scratch_operands = 0 : i64, tpu.core_type = #tpu.core_type<tc>, window_params = [{transform_indices = @transform_0, window_bounds = array<i64: 2, 632, 72>}, {transform_indices = @transform_1, window_bounds = array<i64: 632, 128>}, {pipeline_mode = #tpu.pipeline_mode<synchronous>, transform_indices = @transform_2, window_bounds = array<i64: 72, 128>}, {pipeline_mode = #tpu.pipeline_mode<synchronous>, transform_indices = @transform_3, window_bounds = array<i64: 56, 128>}, {pipeline_mode = #tpu.pipeline_mode<synchronous>, transform_indices = @transform_4, window_bounds = array<i64: 1, 128>}, {pipeline_mode = #tpu.pipeline_mode<synchronous>, transform_indices = @transform_5, window_bounds = array<i64: 128, 128>}, {pipeline_mode = #tpu.pipeline_mode<synchronous>, transform_indices = @transform_6, window_bounds = array<i64: 128, 64>}, {pipeline_mode = #tpu.pipeline_mode<synchronous>, transform_indices = @transform_7, window_bounds = array<i64: 128, 64>}, {pipeline_mode = #tpu.pipeline_mode<synchronous>, transform_indices = @transform_8, window_bounds = array<i64: 1, 64>}, {transform_indices = @transform_9, window_bounds = array<i64: 632, 32>}, {transform_indices = @transform_10, window_bounds = array<i64: 632, 32>}, {transform_indices = @transform_11, window_bounds = array<i64: 632, 128>}]} {
    %get3A = arith.constant 0 : index
    %get3A_0 = arith.constant 0 : index
    %get3A_1 = arith.constant 0 : index
    %get3A_2 = vector.load %arg1[%get3A, %get3A_0, %get3A_1] : memref<2x632x72xf32, #tpu.memory_space<vmem>>, vector<1x632x72xf32>
    %get3A_3 = vector.shape_cast %get3A_2 : vector<1x632x72xf32> to vector<632x72xf32>
    %get3A_4 = arith.constant 1 : index
    %get3A_5 = arith.constant 0 : index
    %get3A_6 = arith.constant 0 : index
    %get3A_7 = vector.load %arg1[%get3A_4, %get3A_5, %get3A_6] : memref<2x632x72xf32, #tpu.memory_space<vmem>>, vector<1x632x72xf32>
    %get3A_8 = vector.shape_cast %get3A_7 : vector<1x632x72xf32> to vector<632x72xf32>
    %slice3A = vector.extract_strided_slice %get3A_8 {offsets = [0, 56], sizes = [632, 1], strides = [1, 1]} : vector<632x72xf32> to vector<632x1xf32>
    %max3A = arith.constant 1.000000e+00 : f32
    %max3A_9 = vector.broadcast %max3A : f32 to vector<632x1xf32>
    %max3A_10 = arith.maximumf %slice3A, %max3A_9 : vector<632x1xf32>
    %div3A = vector.broadcast %max3A_10 : vector<632x1xf32> to vector<632x72xf32>
    %div3A_11 = arith.divf %get3A_3, %div3A : vector<632x72xf32>
    %get3A_12 = arith.constant 0 : index
    %get3A_13 = arith.constant 0 : index
    %get3A_14 = vector.load %arg3[%get3A_12, %get3A_13] : memref<72x128xf32, #tpu.memory_space<vmem>>, vector<72x128xf32>
    %dot_general3A = arith.constant dense<0.000000e+00> : vector<632x128xf32>
    %dot_general3A_15 = tpu.matmul %div3A_11, %get3A_14, %dot_general3A {dimension_numbers = #tpu.dot_dimension_numbers<[1], [0], [0], [1], [0, 0, 1, 1], [], []>, transpose_lhs_hint = false} : vector<632x72xf32>, vector<72x128xf32>, vector<632x128xf32> -> vector<632x128xf32>
    %slice3A_16 = vector.extract_strided_slice %get3A_8 {offsets = [0, 0], sizes = [632, 56], strides = [1, 1]} : vector<632x72xf32> to vector<632x56xf32>
    %div3A_17 = vector.broadcast %max3A_10 : vector<632x1xf32> to vector<632x56xf32>
    %div3A_18 = arith.divf %slice3A_16, %div3A_17 : vector<632x56xf32>
    %get3A_19 = arith.constant 0 : index
    %get3A_20 = arith.constant 0 : index
    %get3A_21 = vector.load %arg4[%get3A_19, %get3A_20] : memref<56x128xf32, #tpu.memory_space<vmem>>, vector<56x128xf32>
    %dot_general3A_22 = arith.constant dense<0.000000e+00> : vector<632x128xf32>
    %dot_general3A_23 = tpu.matmul %div3A_18, %get3A_21, %dot_general3A_22 {dimension_numbers = #tpu.dot_dimension_numbers<[1], [0], [0], [1], [0, 0, 1, 1], [], []>, transpose_lhs_hint = false} : vector<632x56xf32>, vector<56x128xf32>, vector<632x128xf32> -> vector<632x128xf32>
    %add3A = arith.addf %dot_general3A_15, %dot_general3A_23 : vector<632x128xf32>
    %get3A_24 = arith.constant 0 : index
    %get3A_25 = arith.constant 0 : index
    %get3A_26 = vector.load %arg5[%get3A_24, %get3A_25] : memref<1x128xf32, #tpu.memory_space<vmem>>, vector<1x128xf32>
    %add3A_27 = vector.broadcast %get3A_26 : vector<1x128xf32> to vector<632x128xf32>
    %add3A_28 = arith.addf %add3A, %add3A_27 : vector<632x128xf32>
    %get3A_29 = arith.constant 0 : index
    %get3A_30 = arith.constant 0 : index
    %get3A_31 = vector.load %arg2[%get3A_29, %get3A_30] : memref<632x128xf32, #tpu.memory_space<vmem>>, vector<632x128xf32>
    %get3A_32 = arith.constant 0 : index
    %get3A_33 = arith.constant 0 : index
    %get3A_34 = vector.load %arg6[%get3A_32, %get3A_33] : memref<128x128xf32, #tpu.memory_space<vmem>>, vector<128x128xf32>
    %dot_general3A_35 = arith.constant dense<0.000000e+00> : vector<632x128xf32>
    %dot_general3A_36 = tpu.matmul %get3A_31, %get3A_34, %dot_general3A_35 {dimension_numbers = #tpu.dot_dimension_numbers<[1], [0], [0], [1], [0, 0, 1, 1], [], []>, transpose_lhs_hint = false} : vector<632x128xf32>, vector<128x128xf32>, vector<632x128xf32> -> vector<632x128xf32>
    %add3A_37 = arith.addf %add3A_28, %dot_general3A_36 : vector<632x128xf32>
    %max3A_38 = arith.constant 0.000000e+00 : f32
    %max3A_39 = vector.broadcast %max3A_38 : f32 to vector<632x128xf32>
    %max3A_40 = arith.maximumf %add3A_37, %max3A_39 : vector<632x128xf32>
    %get3A_41 = arith.constant 0 : index
    %get3A_42 = arith.constant 0 : index
    %get3A_43 = vector.load %arg7[%get3A_41, %get3A_42] : memref<128x64xf32, #tpu.memory_space<vmem>>, vector<128x64xf32>
    %dot_general3A_44 = arith.constant dense<0.000000e+00> : vector<632x64xf32>
    %dot_general3A_45 = tpu.matmul %max3A_40, %get3A_43, %dot_general3A_44 {dimension_numbers = #tpu.dot_dimension_numbers<[1], [0], [0], [1], [0, 0, 1, 1], [], []>, transpose_lhs_hint = false} : vector<632x128xf32>, vector<128x64xf32>, vector<632x64xf32> -> vector<632x64xf32>
    %slice3A_46 = vector.extract_strided_slice %dot_general3A_45 {offsets = [0, 0], sizes = [632, 32], strides = [1, 1]} : vector<632x64xf32> to vector<632x32xf32>
    %swap3A = arith.constant 0 : index
    %swap3A_47 = arith.constant 0 : index
    %swap3A_48 = vector.load %arg10[%swap3A, %swap3A_47] : memref<632x32xf32, #tpu.memory_space<vmem>>, vector<632x32xf32>
    tpu.vector_store %arg10[%swap3A, %swap3A_47], %slice3A_46 {strides = array<i32>} : memref<632x32xf32, #tpu.memory_space<vmem>>, vector<632x32xf32>,
    %slice3A_49 = vector.extract_strided_slice %dot_general3A_45 {offsets = [0, 32], sizes = [632, 32], strides = [1, 1]} : vector<632x64xf32> to vector<632x32xf32>
    %swap3A_50 = arith.constant 0 : index
    %swap3A_51 = arith.constant 0 : index
    %swap3A_52 = vector.load %arg11[%swap3A_50, %swap3A_51] : memref<632x32xf32, #tpu.memory_space<vmem>>, vector<632x32xf32>
    tpu.vector_store %arg11[%swap3A_50, %swap3A_51], %slice3A_49 {strides = array<i32>} : memref<632x32xf32, #tpu.memory_space<vmem>>, vector<632x32xf32>,
    %get3A_53 = arith.constant 0 : index
    %get3A_54 = arith.constant 0 : index
    %get3A_55 = vector.load %arg8[%get3A_53, %get3A_54] : memref<128x64xf32, #tpu.memory_space<vmem>>, vector<128x64xf32>
    %dot_general3A_56 = arith.constant dense<0.000000e+00> : vector<632x64xf32>
    %dot_general3A_57 = tpu.matmul %max3A_40, %get3A_55, %dot_general3A_56 {dimension_numbers = #tpu.dot_dimension_numbers<[1], [0], [0], [1], [0, 0, 1, 1], [], []>, transpose_lhs_hint = false} : vector<632x128xf32>, vector<128x64xf32>, vector<632x64xf32> -> vector<632x64xf32>
    %get3A_58 = arith.constant 0 : index
    %get3A_59 = arith.constant 0 : index
    %get3A_60 = vector.load %arg9[%get3A_58, %get3A_59] : memref<1x64xf32, #tpu.memory_space<vmem>>, vector<1x64xf32>
    %add3A_61 = vector.broadcast %get3A_60 : vector<1x64xf32> to vector<632x64xf32>
    %add3A_62 = arith.addf %dot_general3A_57, %add3A_61 : vector<632x64xf32>
    %div3A_63 = arith.constant 1.000000e+00 : f32
    %div3A_64 = vector.broadcast %div3A_63 : f32 to vector<632x1xf32>
    %div3A_65 = arith.divf %div3A_64, %max3A_10 : vector<632x1xf32>
    %broadcast_in_dim3A = vector.shape_cast %div3A_65 : vector<632x1xf32> to vector<632x1xf32>
    %broadcast_in_dim3A_66 = vector.broadcast %broadcast_in_dim3A : vector<632x1xf32> to vector<632x64xf32>
    %concatenate3A = tpu.concatenate %add3A_62, %broadcast_in_dim3A_66 in 1 : vector<632x64xf32>, vector<632x64xf32> -> vector<632x128xf32>
    %swap3A_67 = arith.constant 0 : index
    %swap3A_68 = arith.constant 0 : index
    %swap3A_69 = vector.load %arg12[%swap3A_67, %swap3A_68] : memref<632x128xf32, #tpu.memory_space<vmem>>, vector<632x128xf32>
    tpu.vector_store %arg12[%swap3A_67, %swap3A_68], %concatenate3A {strides = array<i32>} : memref<632x128xf32, #tpu.memory_space<vmem>>, vector<632x128xf32>,
    return
  }
  func.func @transform_0(%arg0: i32) -> (i32, i32, i32) {
    %c0_i32 = arith.constant 0 : i32
    %c0_i32_0 = arith.constant 0 : i32
    %c0_i32_1 = arith.constant 0 : i32
    return %c0_i32, %arg0, %c0_i32_0 : i32, i32, i32
  }
  func.func @transform_1(%arg0: i32) -> (i32, i32) {
    %c0_i32 = arith.constant 0 : i32
    %c0_i32_0 = arith.constant 0 : i32
    return %arg0, %c0_i32 : i32, i32
  }
  func.func @transform_2(%arg0: i32) -> (i32, i32) {
    %c0_i32 = arith.constant 0 : i32
    %c0_i32_0 = arith.constant 0 : i32
    %c0_i32_1 = arith.constant 0 : i32
    return %c0_i32, %c0_i32_0 : i32, i32
  }
  func.func @transform_3(%arg0: i32) -> (i32, i32) {
    %c0_i32 = arith.constant 0 : i32
    %c0_i32_0 = arith.constant 0 : i32
    %c0_i32_1 = arith.constant 0 : i32
    return %c0_i32, %c0_i32_0 : i32, i32
  }
  func.func @transform_4(%arg0: i32) -> (i32, i32) {
    %c0_i32 = arith.constant 0 : i32
    %c0_i32_0 = arith.constant 0 : i32
    %c0_i32_1 = arith.constant 0 : i32
    return %c0_i32, %c0_i32_0 : i32, i32
  }
  func.func @transform_5(%arg0: i32) -> (i32, i32) {
    %c0_i32 = arith.constant 0 : i32
    %c0_i32_0 = arith.constant 0 : i32
    %c0_i32_1 = arith.constant 0 : i32
    return %c0_i32, %c0_i32_0 : i32, i32
  }
  func.func @transform_6(%arg0: i32) -> (i32, i32) {
    %c0_i32 = arith.constant 0 : i32
    %c0_i32_0 = arith.constant 0 : i32
    %c0_i32_1 = arith.constant 0 : i32
    return %c0_i32, %c0_i32_0 : i32, i32
  }
  func.func @transform_7(%arg0: i32) -> (i32, i32) {
    %c0_i32 = arith.constant 0 : i32
    %c0_i32_0 = arith.constant 0 : i32
    %c0_i32_1 = arith.constant 0 : i32
    return %c0_i32, %c0_i32_0 : i32, i32
  }
  func.func @transform_8(%arg0: i32) -> (i32, i32) {
    %c0_i32 = arith.constant 0 : i32
    %c0_i32_0 = arith.constant 0 : i32
    %c0_i32_1 = arith.constant 0 : i32
    return %c0_i32, %c0_i32_0 : i32, i32
  }
  func.func @transform_9(%arg0: i32) -> (i32, i32) {
    %c0_i32 = arith.constant 0 : i32
    %c0_i32_0 = arith.constant 0 : i32
    return %arg0, %c0_i32 : i32, i32
  }
  func.func @transform_10(%arg0: i32) -> (i32, i32) {
    %c0_i32 = arith.constant 0 : i32
    %c0_i32_0 = arith.constant 0 : i32
    return %arg0, %c0_i32 : i32, i32
  }
  func.func @transform_11(%arg0: i32) -> (i32, i32) {
    %c0_i32 = arith.constant 0 : i32
    %c0_i32_0 = arith.constant 0 : i32
    return %arg0, %c0_i32 : i32, i32
  }
}

module attributes {stable_mosaic.version = 14 : i64} {
  func.func @_tc2_body(%arg0: i32, %arg1: memref<2x632x32xf32, #tpu.memory_space<vmem>>, %arg2: memref<632x128xf32, #tpu.memory_space<vmem>>, %arg3: memref<632x64xf32, #tpu.memory_space<vmem>>) attributes {dimension_semantics = [#tpu.dimension_semantics<arbitrary>], iteration_bounds = array<i64: 16>, scalar_prefetch = 0 : i64, scratch_operands = 0 : i64, tpu.core_type = #tpu.core_type<tc>, window_params = [{transform_indices = @transform_0, window_bounds = array<i64: 2, 632, 32>}, {transform_indices = @transform_1, window_bounds = array<i64: 632, 128>}, {transform_indices = @transform_2, window_bounds = array<i64: 632, 64>}]} {
    %get3A = arith.constant 0 : index
    %get3A_0 = arith.constant 0 : index
    %get3A_1 = arith.constant 0 : index
    %get3A_2 = vector.load %arg1[%get3A, %get3A_0, %get3A_1] : memref<2x632x32xf32, #tpu.memory_space<vmem>>, vector<1x632x32xf32>
    %get3A_3 = vector.shape_cast %get3A_2 : vector<1x632x32xf32> to vector<632x32xf32>
    %get3A_4 = arith.constant 1 : index
    %get3A_5 = arith.constant 0 : index
    %get3A_6 = arith.constant 0 : index
    %get3A_7 = vector.load %arg1[%get3A_4, %get3A_5, %get3A_6] : memref<2x632x32xf32, #tpu.memory_space<vmem>>, vector<1x632x32xf32>
    %get3A_8 = vector.shape_cast %get3A_7 : vector<1x632x32xf32> to vector<632x32xf32>
    %concatenate3A = tpu.concatenate %get3A_3, %get3A_8 in 1 : vector<632x32xf32>, vector<632x32xf32> -> vector<632x64xf32>
    %get3A_9 = arith.constant 0 : index
    %get3A_10 = arith.constant 0 : index
    %get3A_11 = vector.load %arg2[%get3A_9, %get3A_10] : memref<632x128xf32, #tpu.memory_space<vmem>>, vector<632x64xf32>
    %get3A_12 = arith.constant 0 : index
    %get3A_13 = arith.constant 64 : index
    %get3A_14 = vector.load %arg2[%get3A_12, %get3A_13] : memref<632x128xf32, #tpu.memory_space<vmem>>, vector<632x1xf32>
    %mul3A = vector.broadcast %get3A_14 : vector<632x1xf32> to vector<632x64xf32>
    %mul3A_15 = arith.mulf %concatenate3A, %mul3A : vector<632x64xf32>
    %add3A = arith.addf %get3A_11, %mul3A_15 : vector<632x64xf32>
    %reduce_max3A = arith.constant dense<0xFF800000> : vector<632xf32>
    %reduce_max3A_16 = vector.multi_reduction <maximumf>, %add3A, %reduce_max3A [1] : vector<632x64xf32> to vector<632xf32>
    %broadcast_in_dim3A = vector.shape_cast %reduce_max3A_16 : vector<632xf32> to vector<632x1xf32>
    %sub3A = vector.broadcast %broadcast_in_dim3A : vector<632x1xf32> to vector<632x64xf32>
    %sub3A_17 = arith.subf %add3A, %sub3A : vector<632x64xf32>
    %exp3A = math.exp %sub3A_17 : vector<632x64xf32>
    %sub3A_18 = vector.broadcast %broadcast_in_dim3A : vector<632x1xf32> to vector<632x64xf32>
    %sub3A_19 = arith.subf %add3A, %sub3A_18 : vector<632x64xf32>
    %reduce_sum3A = arith.constant dense<0.000000e+00> : vector<632xf32>
    %reduce_sum3A_20 = vector.multi_reduction <add>, %exp3A, %reduce_sum3A [1] : vector<632x64xf32> to vector<632xf32>
    %broadcast_in_dim3A_21 = vector.shape_cast %reduce_sum3A_20 : vector<632xf32> to vector<632x1xf32>
    %log3A = math.log %broadcast_in_dim3A_21 : vector<632x1xf32>
    %sub3A_22 = vector.broadcast %log3A : vector<632x1xf32> to vector<632x64xf32>
    %sub3A_23 = arith.subf %sub3A_19, %sub3A_22 : vector<632x64xf32>
    %swap3A = arith.constant 0 : index
    %swap3A_24 = arith.constant 0 : index
    %swap3A_25 = vector.load %arg3[%swap3A, %swap3A_24] : memref<632x64xf32, #tpu.memory_space<vmem>>, vector<632x64xf32>
    tpu.vector_store %arg3[%swap3A, %swap3A_24], %sub3A_23 {strides = array<i32>} : memref<632x64xf32, #tpu.memory_space<vmem>>, vector<632x64xf32>,
    return
  }
  func.func @transform_0(%arg0: i32) -> (i32, i32, i32) {
    %c0_i32 = arith.constant 0 : i32
    %c0_i32_0 = arith.constant 0 : i32
    %c0_i32_1 = arith.constant 0 : i32
    return %c0_i32, %arg0, %c0_i32_0 : i32, i32, i32
  }
  func.func @transform_1(%arg0: i32) -> (i32, i32) {
    %c0_i32 = arith.constant 0 : i32
    %c0_i32_0 = arith.constant 0 : i32
    return %arg0, %c0_i32 : i32, i32
  }
  func.func @transform_2(%arg0: i32) -> (i32, i32) {
    %c0_i32 = arith.constant 0 : i32
    %c0_i32_0 = arith.constant 0 : i32
    return %arg0, %c0_i32 : i32, i32
  }
}

</mosaic_0001>

<sc_bundles>
// kernel: kernel.6.cloned.1.call-start
scs
__scs_entry_jumppad:
0x0: {  	(pc) =	sbr.rel $0x88, $3  }
0x1: {  	(tag) =	ssettag $0x0;
	lr =	simm.s32 $0x1  }
0x2: {  	[smem:$0x3F99] =	sst lr;
	_ =	strace $0xD0000000  }
0x3: {  	_ = 	snop  }
0x4: {  	_ = 	snop  }
0x5: {  	_ = 	snop  }
0x6: {  	_ = 	snop  }
0x7: {  	_ = 	snop  }
__scs_overlays_trampoline_lowered:
0x8: {  	[smem:$0x3FA8] =	sst s0  }
0x9: {  	[smem:$0x3FA9] =	sst s1  }
0xa: {  	[smem:$0x3FAA] =	sst s2  }
0xb: {  	[smem:$0x3FAB] =	sst s3  }
0xc: {  	[smem:$0x3FAC] =	sst s4  }
0xd: {  	[smem:$0x3FAD] =	sst s5  }
0xe: {  	[smem:$0x3FAE] =	sst s6  }
0xf: {  	[smem:$0x3FAF] =	sst s7  }
0x10: {  	[smem:$0x3FB0] =	sst s8  }
0x11: {  	[smem:$0x3FB1] =	sst s9;
	s0 =	simm.s32 @!p0 $0x0  }
0x12: {  	s1 =	sld [smem:$0x3F97];
	s0 =	simm.s32 @p0 $0x1  }
0x13: {  	[smem:$0x3FB2] =	sst s0;
	s0 =	simm.s32 @!p1 $0x0  }
0x14: {  	s2 =	sld [smem:$0x3F96];
	s0 =	simm.s32 @p1 $0x1  }
0x15: {  	[smem:$0x3FB3] =	sst s0;
	s0 =	simm.s32 @!p2 $0x0  }
0x16: {  	s3 =	sld [smem:$0x3FDB];
	s0 =	simm.s32 @p2 $0x1  }
0x17: {  	s4 =	simm.s32 $0x1BF5;
	[smem:$0x3FB5] =	sst s0  }
0x18: {  	s0 =	sld [smem:$0x3F98];
	_ =	swait.ge [sflag:s4], $0x0  }
0x19: {  	s7 =	sld [smem:$0x3F99]  }
0x1a: {  	s8 =	sadd.s32 $0xFFFFE003, lr  }
0x1b: {  	s9 =	sadd.s32 $0xFFFFFEF7, lr;
	s5 =	simm.s32 $0xFFFFFFFF;
	p2 =	slt.u32 s8, $0xFFFFF086  }
0x1c: {  	p1 =	slt.u32 s9, $0xF7A;
	s5 =	simm.s32 @!p2 $0x0  }
0x1d: {  	s5 =	simm.s32 @p1 $0x1;
	p0 =	seq.s32 s7, s2  }
0x1e: {  	s7 =	smul.u32 @!p0 $0xF7A, s2;
	p2 =	seq.s32 @!p0 s5, $0x0  }
0x1f: {  	s9 =	smul.u32 $0xF7A, s1;
	s8 =	simm.s32 @!p0 $0x1BF5;
	p2 =	por !p2, p0  }
0x20: {  	[sflag:s8] =	ssyncset.s32 @!p0 $0xFFFFF086;
	s6 =	sadd.s32 @!p0 s3, s7;
	s7 =	simm.s32 @!p0 $0x108  }
0x21: {  	s3 =	sadd.s32 s3, s9;
	s6 =	sadd.s32 @!p0 $0x88, s6;
	s7 =	simm.s32 @p2 $0x1082  }
0x22: {  	[simem:s7], [sflag:s8] =	dma.local @!p0 [hbm:s6], $0xF7A  }
0x23: {  	s9 =	sor.u32 $0xD0000000, s2;
	s6 =	simm.s32 $0x108;
	_ =	swait.ge @!p0 [sflag:s8], $0x0  }
0x24: {  	s3 =	sadd.s32 $0x88, s3;
	s6 =	simm.s32 @!p1 $0x1082;
	[sflag:s4] =	ssyncset.s32 $0xFFFFF086  }
0x25: {  	[simem:s6], [sflag:s4] =	dma.local [hbm:s3], $0xF7A  }
0x26: {  	[smem:$0x3F99] =	sst s1;
	(tag) =	ssettag s2;
	_ =	strace s9  }
0x27: {  	s1 =	sld [smem:$0x3FA9]  }
0x28: {  	s2 =	sld [smem:$0x3FAA]  }
0x29: {  	s4 =	sld [smem:$0x3FAC]  }
0x2a: {  	p0 =	seq.s32 s5, $0x0;
	s5 =	sld [smem:$0x3FAD]  }
0x2b: {  	s6 =	sld [smem:$0x3FAE]  }
0x2c: {  	s7 =	sld [smem:$0x3FAF]  }
0x2d: {  	s3 =	simm.s32 $0x108;
	s8 =	sld [smem:$0x3FB0]  }
0x2e: {  	s3 =	simm.s32 @!p0 $0x1082;
	s9 =	sld [smem:$0x3FB1]  }
0x2f: {  	lr =	sadd.s32 s0, s3;
	s0 =	sld [smem:$0x3FA8]  }
0x30: {  	s3 =	sld [smem:$0x3FAB]  }
0x31: {  	[smem:$0x3FB4] =	sst s10  }
0x32: {  	s10 =	sld [smem:$0x3FB2];
	_ =	sdelay $0x3  }
0x33: {  	p0 =	seq.s32 s10, $0x1;
	s10 =	sld [smem:$0x3FB4];
	_ =	sdelay $0x3  }
0x34: {  	[smem:$0x3FB4] =	sst s10  }
0x35: {  	s10 =	sld [smem:$0x3FB3];
	_ =	sdelay $0x3  }
0x36: {  	p1 =	seq.s32 s10, $0x1;
	s10 =	sld [smem:$0x3FB4];
	_ =	sdelay $0x3  }
0x37: {  	[smem:$0x3FB4] =	sst s10  }
0x38: {  	s10 =	sld [smem:$0x3FB5]  }
0x39: {  	_ = 	snop;
	(pc) =	sbr.ind lr, $3  }
0x3a: {  	_ = 	snop  }
0x3b: {  	_ = 	snop  }
0x3c: {  	p2 =	seq.s32 s10, $0x1;
	s10 =	sld [smem:$0x3FB4]  }
0x3d: {  	_ =	shalt  }
0x3e: {  	_ =	shalt  }
0x3f: {  	_ =	shalt  }
0x40: {  	_ =	shalt  }
0x41: {  	_ =	shalt  }
0x42: {  	_ =	shalt  }
0x43: {  	_ =	shalt  }
0x44: {  	_ =	shalt  }
0x45: {  	_ =	shalt  }
0x46: {  	_ =	shalt  }
0x47: {  	_ =	shalt  }
0x48: {  	_ =	shalt  }
0x49: {  	_ =	shalt  }
0x4a: {  	_ =	shalt  }
0x4b: {  	_ =	shalt  }
0x4c: {  	_ =	shalt  }
0x4d: {  	_ =	shalt  }
0x4e: {  	_ =	shalt  }
0x4f: {  	_ =	shalt  }
0x50: {  	_ =	shalt  }
0x51: {  	_ =	shalt  }
0x52: {  	_ =	shalt  }
0x53: {  	_ =	shalt  }
0x54: {  	_ =	shalt  }
0x55: {  	_ =	shalt  }
0x56: {  	_ =	shalt  }
0x57: {  	_ =	shalt  }
0x58: {  	_ =	shalt  }
0x59: {  	_ =	shalt  }
0x5a: {  	_ =	shalt  }
0x5b: {  	_ =	shalt  }
0x5c: {  	_ =	shalt  }
0x5d: {  	_ =	shalt  }
0x5e: {  	_ =	shalt  }
0x5f: {  	_ =	shalt  }
0x60: {  	_ =	shalt  }
0x61: {  	_ =	shalt  }
0x62: {  	_ =	shalt  }
0x63: {  	_ =	shalt  }
0x64: {  	_ =	shalt  }
0x65: {  	_ =	shalt  }
0x66: {  	_ =	shalt  }
0x67: {  	_ =	shalt  }
0x68: {  	_ =	shalt  }
0x69: {  	_ =	shalt  }
0x6a: {  	_ =	shalt  }
0x6b: {  	_ =	shalt  }
0x6c: {  	_ =	shalt  }
0x6d: {  	_ =	shalt  }
0x6e: {  	_ =	shalt  }
0x6f: {  	_ =	shalt  }
0x70: {  	_ =	shalt  }
0x71: {  	_ =	shalt  }
0x72: {  	_ =	shalt  }
0x73: {  	_ =	shalt  }
0x74: {  	_ =	shalt  }
0x75: {  	_ =	shalt  }
0x76: {  	_ =	shalt  }
0x77: {  	_ =	shalt  }
0x78: {  	_ =	shalt  }
0x79: {  	_ =	shalt  }
0x7a: {  	_ =	shalt  }
0x7b: {  	_ =	shalt  }
0x7c: {  	_ =	shalt  }
0x7d: {  	_ =	shalt  }
0x7e: {  	_ =	shalt  }
0x7f: {  	_ =	shalt  }
0x80: {  	_ =	shalt  }
0x81: {  	_ =	shalt  }
0x82: {  	_ =	shalt  }
0x83: {  	_ =	shalt  }
0x84: {  	_ =	shalt  }
0x85: {  	_ =	shalt  }
0x86: {  	_ =	shalt  }
0x87: {  	_ =	shalt  }
.Lfunc_end0:
.L_simem_size_0:
called_computation_lowered:
.L_overlay_start_0:
0x88: {  	s2 =	sld [smem:$0x3FD9]  }
0x89: {  	s3 =	sld [smem:$0x3FFE];
	_ =	sdelay $0x1  }
0x8a: {  	s1 =	srdreg.scid  }
0x8b: {  	s0 =	sand.u32 $0x1, s1  }
0x8c: {  	s17 =	sshll.u32 s0, $0xA;
	s2 =	sadd.s32 s3, s2  }
0x8d: {  	s2 =	sadd.s32 s2, s17  }
0x8e: {  	[smem:$0x3FC0] =	sst s2  }
0x8f: {  	_ = 	snop  }
0x90: {  	s2 =	sld [smem:$0x3FD0];
	(tm) =	ssettm $0x1  }
0x91: {  	s18 =	sld [smem:$0x3FFB];
	_ =	sdelay $0x3  }
0x92: {  	_ =	strace s18  }
0x93: {  	s3 =	sld [smem:$0x3FFC];
	_ =	sdelay $0x3  }
0x94: {  	_ =	strace s3  }
0x95: {  	s3 =	sld [smem:$0x3FFD];
	_ =	sdelay $0x3  }
0x96: {  	_ =	strace s3  }
0x97: {  	_ =	strace $0x8FFFFFFF  }
0x98: {  	s19 =	sld [smem:$0x3FDB];
	_ =	sdelay $0x1  }
0x99: {  	s4 =	simm.s32 $_scs_section_size  }
0x9a: {  	s5 =	simm.s32 $_size__tile_overlayer_lowered;
	s6 =	simm.s32 $_tile_overlayer_lowered  }
0x9b: {  	s22 =	simm.s32 $0x1BFF;
	s21 =	sshll.u32 s6, $0x1;
	s3 =	sadd.s32 s4, s19  }
0x9c: {  	s7 =	simm.s32 $0x0;
	s20 =	sshll.u32 s5, $0x1;
	s5 =	sadd.s32 s21, s3  }
0x9d: {  	[timem:s7], [sflag:s22] =	dma.local [hbm:s5], s20  }
0x9e: {  	_ =	swait.ge [sflag:s22], s20  }
0x9f: {  	s4 =	ssub.s32 $0x0, s20;
	[sflag:s22] =	ssyncset.done $0x0  }
0xa0: {  	[sflag:s22] =	ssyncadd.s32 s4;
	_ =	sdelay $0x1  }
0xa1: {  	s23 =	simm.s32 $0x1B8B  }
0xa2: {  	_ =	swait.ge [sflag:s23], $0x1  }
0xa3: {  	[sflag:s23] =	ssyncset.done $0x0  }
0xa4: {  	s25 =	simm.s32 $0x1B8E;
	s24 =	sld [smem:$0x3FFE];
	[sflag:s23] =	ssyncadd.s32 $0xFFFFFFFF  }
0xa5: {  	s26 =	simm.s32 $execute0_lowered;
	[smem:$0x3FD2] =	sst s25  }
0xa6: {  	s5 =	sshll.u32 s26, $0x1;
	_ =	strace $0x80000046;
	[dreg:$0x1] =	wrdreg $0xFFFFFFFF  }
0xa7: {  	s28 =	simm.s32 $_size_execute0_lowered;
	s3 =	sadd.s32 s3, s5;
	[dreg:$0x0] =	wrdreg $0x0  }
0xa8: {  	s5 =	sshll.u32 s28, $0x1;
	[dreg:$0x2] =	wrdreg s3  }
0xa9: {  	[dreg:$0x3] =	wrdreg s5  }
0xaa: {  	[dreg:$0x4] =	wrdreg $0xC0  }
0xab: {  	_ =	task [dreg:s7], $0x5FFFF  }
0xac: {  	[dreg:$0x1] =	wrdreg $0xFFFFFFFF  }
0xad: {  	[dreg:$0x0] =	wrdreg $0x60  }
0xae: {  	[dreg:$0x2] =	wrdreg s24  }
0xaf: {  	[dreg:$0x3] =	wrdreg s2  }
0xb0: {  	[dreg:$0x4] =	wrdreg $0xE8000  }
0xb1: {  	[dreg:$0x5] =	wrdreg $0x9  }
0xb2: {  	_ =	task.clear_ibuf [dreg:s7], $0x6FFFF;
	_ =	strace $0x90000046  }
0xb3: {  	s29 =	simm.s32 $0x9;
	_ =	strace $0x80000048  }
0xb4: {  	_ =	swait.ge [sflag:s29], $0x1  }
0xb5: {  	[sflag:s29] =	ssyncadd.s32 $0xFFFFFFFF  }
0xb6: {  	_ =	strace $0x90000048  }
0xb7: {  	_ =	sfence  }
0xb8: {  	s30 =	sld [smem:$0x0];
	_ =	sdelay $0x2  }
0xb9: {  	s31 =	sshll.u32 s1, $0xD;
	s1 =	sshrl.u32 s1, $0x2  }
0xba: {  	s3 =	sand.u32 $0x4000, s31;
	s1 =	sadd.s32 s1, s30  }
0xbb: {  	s0 =	sor.u32 s3, s0;
	s1 =	sshll.u32 s1, $0x11  }
0xbc: {  	s0 =	sor.u32 s1, s0  }
0xbd: {  	s0 =	sadd.s32 $0x8F2B, s0  }
0xbe: {  	[sflag:s0] =	ssyncadd.remote.s32 $0x1  }
0xbf: {  	_ =	sfence.sel $0xFFFF  }
0xc0: {  	[dreg:$0x0] =	wrdreg $0xFFFFFFFF;
	(pc) =	sbr.abs _section_cstart, $3  }
0xc1: {  	[dreg:$0x1] =	wrdreg $0xFFFFFFFF  }
0xc2: {  	_ =	task.clear_ibuf [dreg:s7], $0x2FFFF;
	_ =	strace $0x9FFFFFFF  }
0xc3: {  	(tm) =	ssettm $0x7FFFFFFF  }
tec
execute0_lowered:
.L_overlay_start_1:
0x0: {  	(tag) =	ssettag $0x1  }
0x1: {  	s7 =	rddreg [dreg:$0x0]  }
0x2: {  	s2 =	rddreg [dreg:$0x1]  }
0x3: {  	s3 =	rddreg [dreg:$0x2]  }
0x4: {  	s0 =	rddreg [dreg:$0x3]  }
0x5: {  	s1 =	stileid.u32;
	s5 =	srdreg.scid;
	s4 =	simm.s32 $0x0  }
0x6: {  	s14 =	simm.s32 $0x5000;
	s15 =	simm.s32 $0x80;
	s16 =	simm.s32 $0xA000  }
0x7: {  	s17 =	simm.s32 $0xC400;
	s18 =	simm.s32 $0x1;
	s19 =	simm.s32 $0x2  }
0x8: {  	s20 =	simm.s32 $0x4F80;
	s21 =	simm.s32 $0x9F00;
	s22 =	simm.s32 $0x9F80  }
0x9: {  	s23 =	simm.s32 $0x0;
	s10 =	sand.u32 $0x1, s5;
	s8 =	smul.u32 $0xB1C0, s1  }
0xa: {  	[smem:$0x7FF] =	sst s4;
	s5 =	sadd.s32 $0x17400, s7;
	s9 =	smul.u32 $0xA00, s1  }
0xb: {  	s31 =	sshll.u32 s1, $0x6;
	s6 =	smul.u32 $0xB1C00, s10;
	_ =	strace $0x80000047  }
0xc: {  	s12 =	ssub.s32 $0x2, s10;
	p0 =	seq.s32 s10, $0x1;
	s9 =	sadd.s32 s9, s7  }
.Ltmp0:
0xd: {  	s30 =	sshrl.u32 s12, $0x1;
	s11 =	sadd.s32 s8, s6;
	(pc) =	sbr.rel .LBB2_1-.Ltmp0, $4  }
0xe: {  	s13 =	sadd.s32 s8, s3;
	s6 =	sadd.s32 $0x1000, s7;
	s11 =	sshrl.u32 s11, $0x3  }
0xf: {  	s12 =	ssub.s32 s12, s30;
	s8 =	sadd.s32 $0x37800, s9;
	s11 =	sadd.s32 s11, s7  }
0x10: {  	s9 =	sadd.s32 $0x2D800, s9;
	s7 =	sor.u32 $0x1C03, s31;
	s10 =	sadd.s32 $0x41800, s11  }
0x11: {  	s11 =	smax.u32 s12, $0x1;
	s12 =	sshrl.u32 s13, $0x3;
	s13 =	simm.s32 $0x3  }
.LBB2_7:
0x12: {  	s25 =	sadd.s32 $0x80, s24;
	[sflag:s13] =	ssyncadd.s32 $0xFFFFDC00  }
0x13: {  	[tilespmem:s17], [sflag:$0x2] =	stream.indirect.gather [hbm4b:s6+s15], $0x48, s25, s15, $0xb8;
	[tilespmem:$0x199C0] =	vst v63  }
0x14: {  	_ =	swait.ge [sflag:s18], $0x2400  }
0x15: {  	[sflag:s18] =	ssyncset.done $0x0  }
0x16: {  	s29 =	sadd.s32 $0x5000, s24;
	[sflag:s18] =	ssyncadd.s32 $0xFFFFDC00  }
0x17: {  	[spmem:s3] =	stream.indirect.scatter.add.f32 [tilespmem:s16], [sflag:$0x3], $0x48, s29, s15, $0xb8;
	[tilespmem:$0x199C0] =	vst v63  }
0x18: {  	_ =	swait.ge [sflag:s13], $0x2400  }
0x19: {  	[sflag:s13] =	ssyncset.done $0x0  }
0x1a: {  	s30 =	sadd.s32 $0x100, s24;
	[sflag:s13] =	ssyncadd.s32 $0xFFFFDC00  }
0x1b: {  	[tilespmem:s16], [sflag:$0x1] =	stream.indirect.gather [hbm4b:s6+s15], $0x48, s30, s15, $0xb8;
	[tilespmem:$0x199C0] =	vst v63  }
0x1c: {  	_ =	swait.ge [sflag:s19], $0x2400  }
0x1d: {  	[sflag:s19] =	ssyncset.done $0x0  }
0x1e: {  	s31 =	sadd.s32 $0x5080, s24;
	[sflag:s19] =	ssyncadd.s32 $0xFFFFDC00  }
0x1f: {  	[spmem:s3] =	stream.indirect.scatter.add.f32 [tilespmem:s17], [sflag:$0x3], $0x48, s31, s15, $0xb8;
	[tilespmem:$0x199C0] =	vst v63  }
0x20: {  	_ =	swait.ge [sflag:s13], $0x2400  }
0x21: {  	[sflag:s13] =	ssyncset.done $0x0  }
0x22: {  	[sflag:s13] =	ssyncadd.s32 $0xFFFFDC00  }
0x23: {  	[tilespmem:s17], [sflag:$0x2] =	stream.indirect.gather [hbm4b:s6+s15], $0x48, s20, s15, $0xb8;
	[tilespmem:$0x199C0] =	vst v63  }
.LBB2_8:
0x24: {  	_ =	swait.ge [sflag:s18], $0x2400  }
0x25: {  	[sflag:s18] =	ssyncset.done $0x0  }
0x26: {  	[sflag:s18] =	ssyncadd.s32 $0xFFFFDC00  }
0x27: {  	[spmem:s3] =	stream.indirect.scatter.add.f32 [tilespmem:s16], [sflag:$0x3], $0x48, s21, s15, $0xb8;
	[tilespmem:$0x199C0] =	vst v63  }
0x28: {  	_ =	swait.ge [sflag:s13], $0x2400  }
0x29: {  	[sflag:s13] =	ssyncset.done $0x0  }
0x2a: {  	[sflag:s13] =	ssyncadd.s32 $0xFFFFDC00  }
0x2b: {  	_ =	swait.ge [sflag:s19], $0x2400  }
0x2c: {  	[sflag:s19] =	ssyncset.done $0x0  }
0x2d: {  	[sflag:s19] =	ssyncadd.s32 $0xFFFFDC00  }
0x2e: {  	[spmem:s3] =	stream.indirect.scatter.add.f32 [tilespmem:s17], [sflag:$0x3], $0x48, s22, s15, $0xb8;
	[tilespmem:$0x199C0] =	vst v63  }
0x2f: {  	_ =	swait.ge [sflag:s13], $0x2400  }
0x30: {  	s23 =	sadd.s32 $0x1, s23;
	[sflag:s13] =	ssyncset.done $0x0  }
0x31: {  	p1 =	sne.s32 s23, s11;
	[sflag:s13] =	ssyncadd.s32 $0xFFFFDC00  }
.Ltmp1:
0x32: {  	[bflag:$0x0] =	sbarrier.arrive $0xFFFF;
	(pc) =	sbr.rel @!p1 .LBB2_9-.Ltmp1, $4  }
0x33: {  	[hbm:s10], [sflag:s7] =	dma.local [spmem:s12], $0x1638  }
0x34: {  	_ =	swait.ge [sflag:s13], $0x1638  }
0x35: {  	[sflag:s13] =	ssyncset.done $0x0  }
0x36: {  	[sflag:s13] =	ssyncadd.s32 $0xFFFFE9C8  }
.LBB2_1:
0x37: {  	[spmem:s12], [sflag:s7] =	dma.local [hbm:s2], $0x1638  }
0x38: {  	_ =	swait.ge [sflag:s13], $0x1638  }
0x39: {  	[sflag:s13] =	ssyncset.done $0x0  }
0x3a: {  	[sflag:s13] =	ssyncadd.s32 $0xFFFFE9C8  }
0x3b: {  	[tilespmem:s4], [sflag:$0x3] =	stream.linear.gather [hbm4b:s8+s4], $0x5000, $0x38;
	[tilespmem:$0x199C0] =	vst v63  }
0x3c: {  	_ =	swait.ge [sflag:s13], $0x5000  }
0x3d: {  	[sflag:s13] =	ssyncset.done $0x0  }
0x3e: {  	[sflag:s13] =	ssyncadd.s32 $0xFFFFB000  }
0x3f: {  	[tilespmem:s14], [sflag:$0x3] =	stream.linear.gather [hbm4b:s9+s4], $0x5000, $0x38;
	[tilespmem:$0x199C0] =	vst v63  }
.Ltmp2:
0x40: {  	_ =	swait.ge [sflag:s13], $0x5000;
	(pc) =	sbr.rel @!p0 .LBB2_2-.Ltmp2, $4  }
0x41: {  	[sflag:s13] =	ssyncset.done $0x0  }
0x42: {  	[sflag:s13] =	ssyncadd.s32 $0xFFFFB000  }
0x43: {  	[bflag:$0x0] =	sbarrier.arrive $0xFFFF  }
0x44: {  	s24 =	simm.s32 $0x0  }
0x45: {  	[tilespmem:s16], [sflag:$0x1] =	stream.indirect.gather [hbm4b:s6+s15], $0x48, s24, s15, $0xb8;
	[tilespmem:$0x199C0] =	vst v63  }
0x46: {  	s28 =	simm.s32 $0x80  }
0x47: {  	[tilespmem:s17], [sflag:$0x2] =	stream.indirect.gather [hbm4b:s6+s15], $0x48, s28, s15, $0xb8;
	[tilespmem:$0x199C0] =	vst v63  }
0x48: {  	_ =	swait.ge [sflag:s18], $0x2400  }
0x49: {  	[sflag:s18] =	ssyncset.done $0x0  }
0x4a: {  	s29 =	simm.s32 $0x5000;
	[sflag:s18] =	ssyncadd.s32 $0xFFFFDC00  }
0x4b: {  	[spmem:s3] =	stream.indirect.scatter.add.f32 [tilespmem:s16], [sflag:$0x3], $0x48, s29, s15, $0xb8;
	[tilespmem:$0x199C0] =	vst v63  }
0x4c: {  	_ =	swait.ge [sflag:s13], $0x2400  }
0x4d: {  	[sflag:s13] =	ssyncset.done $0x0  }
0x4e: {  	s30 =	simm.s32 $0x100;
	[sflag:s13] =	ssyncadd.s32 $0xFFFFDC00  }
0x4f: {  	[tilespmem:s16], [sflag:$0x1] =	stream.indirect.gather [hbm4b:s6+s15], $0x48, s30, s15, $0xb8;
	[tilespmem:$0x199C0] =	vst v63  }
0x50: {  	_ =	swait.ge [sflag:s19], $0x2400  }
0x51: {  	[sflag:s19] =	ssyncset.done $0x0  }
0x52: {  	s31 =	simm.s32 $0x5080;
	[sflag:s19] =	ssyncadd.s32 $0xFFFFDC00  }
0x53: {  	[spmem:s3] =	stream.indirect.scatter.add.f32 [tilespmem:s17], [sflag:$0x3], $0x48, s31, s15, $0xb8;
	[tilespmem:$0x199C0] =	vst v63  }
0x54: {  	_ =	swait.ge [sflag:s13], $0x2400  }
0x55: {  	s25 =	simm.s32 $0x800;
	s24 =	simm.s32 $0x100;
	[sflag:s13] =	ssyncset.done $0x0  }
.LBB2_6:
0x56: {  	s26 =	sadd.s32 $0x80, s24  }
0x57: {  	[sflag:s13] =	ssyncadd.s32 $0xFFFFDC00;
	s28 =	smov.u32 s25;
	s29 =	sadd.s32 $0x400, s25  }
0x58: {  	[tilespmem:s17], [sflag:$0x2] =	stream.indirect.gather [hbm4b:s6+s15], $0x48, s26, s15, $0xb8;
	[tilespmem:$0x199C0] =	vst v63  }
0x59: {  	p1 =	sne.s32 s25, $0x13800;
	_ =	swait.ge [sflag:s18], $0x2400  }
0x5a: {  	[sflag:s18] =	ssyncset.done $0x0  }
0x5b: {  	s25 =	sadd.s32 $0x5000, s24;
	[sflag:s18] =	ssyncadd.s32 $0xFFFFDC00  }
0x5c: {  	[spmem:s3] =	stream.indirect.scatter.add.f32 [tilespmem:s16], [sflag:$0x3], $0x48, s25, s15, $0xb8;
	[tilespmem:$0x199C0] =	vst v63  }
0x5d: {  	_ =	swait.ge [sflag:s13], $0x2400  }
0x5e: {  	[sflag:s13] =	ssyncset.done $0x0  }
0x5f: {  	s25 =	sadd.s32 $0x100, s24;
	[sflag:s13] =	ssyncadd.s32 $0xFFFFDC00  }
0x60: {  	[tilespmem:s16], [sflag:$0x1] =	stream.indirect.gather [hbm4b:s6+s15], $0x48, s25, s15, $0xb8;
	[tilespmem:$0x199C0] =	vst v63  }
0x61: {  	_ =	swait.ge [sflag:s19], $0x2400  }
.Ltmp3:
0x62: {  	[sflag:s19] =	ssyncset.done $0x0;
	(pc) =	sbr.rel @p1 .LBB2_6-.Ltmp3, $4  }
0x63: {  	s24 =	sadd.s32 $0x5080, s24;
	[sflag:s19] =	ssyncadd.s32 $0xFFFFDC00  }
0x64: {  	[spmem:s3] =	stream.indirect.scatter.add.f32 [tilespmem:s17], [sflag:$0x3], $0x48, s24, s15, $0xb8;
	[tilespmem:$0x199C0] =	vst v63  }
0x65: {  	_ =	swait.ge [sflag:s13], $0x2400  }
0x66: {  	s25 =	smov.u32 s29;
	s24 =	sshra.s32 s28, $0x2;
	[sflag:s13] =	ssyncset.done $0x0  }
.Ltmp4:
0x67: {  	_ = 	snop;
	(pc) =	sbr.rel .LBB2_7-.Ltmp4, $1  }
0x68: {  	_ =	sdelay $0x3  }
.LBB2_2:
0x69: {  	[tilespmem:s16], [sflag:$0x1] =	stream.indirect.gather [hbm4b:s5+s15], $0x48, s24, s15, $0xb8;
	[tilespmem:$0x199C0] =	vst v63  }
0x6a: {  	s28 =	simm.s32 $0x80  }
0x6b: {  	[tilespmem:s17], [sflag:$0x2] =	stream.indirect.gather [hbm4b:s5+s15], $0x48, s28, s15, $0xb8;
	[tilespmem:$0x199C0] =	vst v63  }
0x6c: {  	_ =	swait.ge [sflag:s18], $0x2400  }
0x6d: {  	[sflag:s18] =	ssyncset.done $0x0  }
0x6e: {  	s29 =	simm.s32 $0x5000;
	[sflag:s18] =	ssyncadd.s32 $0xFFFFDC00  }
0x6f: {  	[spmem:s3] =	stream.indirect.scatter.add.f32 [tilespmem:s16], [sflag:$0x3], $0x48, s29, s15, $0xb8;
	[tilespmem:$0x199C0] =	vst v63  }
0x70: {  	_ =	swait.ge [sflag:s13], $0x2400  }
0x71: {  	[sflag:s13] =	ssyncset.done $0x0  }
0x72: {  	s30 =	simm.s32 $0x100;
	[sflag:s13] =	ssyncadd.s32 $0xFFFFDC00  }
0x73: {  	[tilespmem:s16], [sflag:$0x1] =	stream.indirect.gather [hbm4b:s5+s15], $0x48, s30, s15, $0xb8;
	[tilespmem:$0x199C0] =	vst v63  }
0x74: {  	_ =	swait.ge [sflag:s19], $0x2400  }
0x75: {  	[sflag:s19] =	ssyncset.done $0x0  }
0x76: {  	s31 =	simm.s32 $0x5080;
	[sflag:s19] =	ssyncadd.s32 $0xFFFFDC00  }
0x77: {  	[spmem:s3] =	stream.indirect.scatter.add.f32 [tilespmem:s17], [sflag:$0x3], $0x48, s31, s15, $0xb8;
	[tilespmem:$0x199C0] =	vst v63  }
0x78: {  	_ =	swait.ge [sflag:s13], $0x2400  }
0x79: {  	s25 =	simm.s32 $0x800;
	s24 =	simm.s32 $0x100;
	[sflag:s13] =	ssyncset.done $0x0  }
.LBB2_3:
0x7a: {  	s26 =	sadd.s32 $0x80, s24  }
0x7b: {  	[sflag:s13] =	ssyncadd.s32 $0xFFFFDC00;
	s28 =	smov.u32 s25;
	s29 =	sadd.s32 $0x400, s25  }
0x7c: {  	[tilespmem:s17], [sflag:$0x2] =	stream.indirect.gather [hbm4b:s5+s15], $0x48, s26, s15, $0xb8;
	[tilespmem:$0x199C0] =	vst v63  }
0x7d: {  	p1 =	seq.s32 s25, $0x13800;
	_ =	swait.ge [sflag:s18], $0x2400  }
0x7e: {  	[sflag:s18] =	ssyncset.done $0x0  }
0x7f: {  	s25 =	sadd.s32 $0x5000, s24;
	[sflag:s18] =	ssyncadd.s32 $0xFFFFDC00  }
0x80: {  	[spmem:s3] =	stream.indirect.scatter.add.f32 [tilespmem:s16], [sflag:$0x3], $0x48, s25, s15, $0xb8;
	[tilespmem:$0x199C0] =	vst v63  }
0x81: {  	_ =	swait.ge [sflag:s13], $0x2400  }
0x82: {  	[sflag:s13] =	ssyncset.done $0x0  }
0x83: {  	s25 =	sadd.s32 $0x100, s24;
	[sflag:s13] =	ssyncadd.s32 $0xFFFFDC00  }
0x84: {  	[tilespmem:s16], [sflag:$0x1] =	stream.indirect.gather [hbm4b:s5+s15], $0x48, s25, s15, $0xb8;
	[tilespmem:$0x199C0] =	vst v63  }
0x85: {  	_ =	swait.ge [sflag:s19], $0x2400  }
.Ltmp5:
0x86: {  	[sflag:s19] =	ssyncset.done $0x0;
	(pc) =	sbr.rel @!p1 .LBB2_3-.Ltmp5, $4  }
0x87: {  	s24 =	sadd.s32 $0x5080, s24;
	[sflag:s19] =	ssyncadd.s32 $0xFFFFDC00  }
0x88: {  	[spmem:s3] =	stream.indirect.scatter.add.f32 [tilespmem:s17], [sflag:$0x3], $0x48, s24, s15, $0xb8;
	[tilespmem:$0x199C0] =	vst v63  }
0x89: {  	_ =	swait.ge [sflag:s13], $0x2400  }
0x8a: {  	s25 =	smov.u32 s29;
	s24 =	sshra.s32 s28, $0x2;
	[sflag:s13] =	ssyncset.done $0x0  }
0x8b: {  	s25 =	sadd.s32 $0x80, s24;
	[sflag:s13] =	ssyncadd.s32 $0xFFFFDC00  }
0x8c: {  	[tilespmem:s17], [sflag:$0x2] =	stream.indirect.gather [hbm4b:s5+s15], $0x48, s25, s15, $0xb8;
	[tilespmem:$0x199C0] =	vst v63  }
0x8d: {  	_ =	swait.ge [sflag:s18], $0x2400  }
0x8e: {  	[sflag:s18] =	ssyncset.done $0x0  }
0x8f: {  	s29 =	sadd.s32 $0x5000, s24;
	[sflag:s18] =	ssyncadd.s32 $0xFFFFDC00  }
0x90: {  	[spmem:s3] =	stream.indirect.scatter.add.f32 [tilespmem:s16], [sflag:$0x3], $0x48, s29, s15, $0xb8;
	[tilespmem:$0x199C0] =	vst v63  }
0x91: {  	_ =	swait.ge [sflag:s13], $0x2400  }
0x92: {  	[sflag:s13] =	ssyncset.done $0x0  }
0x93: {  	s30 =	sadd.s32 $0x100, s24;
	[sflag:s13] =	ssyncadd.s32 $0xFFFFDC00  }
0x94: {  	[tilespmem:s16], [sflag:$0x1] =	stream.indirect.gather [hbm4b:s5+s15], $0x48, s30, s15, $0xb8;
	[tilespmem:$0x199C0] =	vst v63  }
0x95: {  	_ =	swait.ge [sflag:s19], $0x2400  }
0x96: {  	[sflag:s19] =	ssyncset.done $0x0  }
0x97: {  	s31 =	sadd.s32 $0x5080, s24;
	[sflag:s19] =	ssyncadd.s32 $0xFFFFDC00  }
0x98: {  	[spmem:s3] =	stream.indirect.scatter.add.f32 [tilespmem:s17], [sflag:$0x3], $0x48, s31, s15, $0xb8;
	[tilespmem:$0x199C0] =	vst v63  }
.Ltmp6:
0x99: {  	_ = 	snop;
	(pc) =	sbr.rel .LBB2_8-.Ltmp6, $4  }
0x9a: {  	_ =	swait.ge [sflag:s13], $0x2400  }
0x9b: {  	[sflag:s13] =	ssyncset.done $0x0  }
0x9c: {  	[sflag:s13] =	ssyncadd.s32 $0xFFFFDC00  }
0x9d: {  	[tilespmem:s17], [sflag:$0x2] =	stream.indirect.gather [hbm4b:s5+s15], $0x48, s20, s15, $0xb8;
	[tilespmem:$0x199C0] =	vst v63  }
.LBB2_9:
0x9e: {  	_ =	sfence.sel $0x180000  }
0x9f: {  	[bflag:$0x0] =	sbarrier.arrive $0xFFFF  }
0xa0: {  	p0 =	sne.s32 s1, $0x0;
	_ =	strace $0x90000047  }
0xa1: {  	s0 =	sadd.s32 @!p0 $0x100000, s0;
	[bflag:$0x2] =	sbarrier.arrive $0xFFFF  }
0xa2: {  	[sflag:s0] =	ssyncadd.tile.s32 @!p0 $0x1;
	_ =	shalt  }
.Lfunc_end2:
_tile_overlayer_lowered:
.L_overlay_start_2:
0xa3: {  	(tag) =	ssettag $0x2  }
0xa4: {  	s0 =	rddreg [dreg:$0x0];
	s2 =	stileid.u32  }
0xa5: {  	s1 =	rddreg [dreg:$0x1];
	p0 =	sne.s32 s2, $0x0  }
0xa6: {  	s3 =	rddreg [dreg:$0x2];
	[bflag:$0x3] =	sbarrier.arrive $0xFFFF;
	s2 =	simm.s32 @!p0 $0x1C03  }
0xa7: {  	[timem:s3], [sflag:s2] =	dma.local @!p0 [hbm:s0], s1  }
0xa8: {  	s0 =	simm.s32 @!p0 $0x3  }
0xa9: {  	_ =	swait.ge @!p0 [sflag:s0], s1  }
0xaa: {  	s1 =	ssub.s32 @!p0 $0x0, s1;
	[sflag:s0] =	ssyncset.done @!p0 $0x0  }
0xab: {  	[sflag:s0] =	ssyncadd.s32 @!p0 s1  }
0xac: {  	[bflag:$0x3] =	sbarrier.arrive $0xFFFF  }
0xad: {  	_ =	shalt  }

// kernel: kernel.9.cloned.1.call-start
scs
__scs_entry_jumppad:
0x0: {  	(pc) =	sbr.rel $0x88, $3  }
0x1: {  	(tag) =	ssettag $0x0;
	lr =	simm.s32 $0x1  }
0x2: {  	[smem:$0x3F99] =	sst lr;
	_ =	strace $0xD0000000  }
0x3: {  	_ = 	snop  }
0x4: {  	_ = 	snop  }
0x5: {  	_ = 	snop  }
0x6: {  	_ = 	snop  }
0x7: {  	_ = 	snop  }
__scs_overlays_trampoline_lowered:
0x8: {  	[smem:$0x3FA8] =	sst s0  }
0x9: {  	[smem:$0x3FA9] =	sst s1  }
0xa: {  	[smem:$0x3FAA] =	sst s2  }
0xb: {  	[smem:$0x3FAB] =	sst s3  }
0xc: {  	[smem:$0x3FAC] =	sst s4  }
0xd: {  	[smem:$0x3FAD] =	sst s5  }
0xe: {  	[smem:$0x3FAE] =	sst s6  }
0xf: {  	[smem:$0x3FAF] =	sst s7  }
0x10: {  	[smem:$0x3FB0] =	sst s8  }
0x11: {  	[smem:$0x3FB1] =	sst s9;
	s0 =	simm.s32 @!p0 $0x0  }
0x12: {  	s1 =	sld [smem:$0x3F97];
	s0 =	simm.s32 @p0 $0x1  }
0x13: {  	[smem:$0x3FB2] =	sst s0;
	s0 =	simm.s32 @!p1 $0x0  }
0x14: {  	s2 =	sld [smem:$0x3F96];
	s0 =	simm.s32 @p1 $0x1  }
0x15: {  	[smem:$0x3FB3] =	sst s0;
	s0 =	simm.s32 @!p2 $0x0  }
0x16: {  	s3 =	sld [smem:$0x3FDB];
	s0 =	simm.s32 @p2 $0x1  }
0x17: {  	s4 =	simm.s32 $0x1BF5;
	[smem:$0x3FB5] =	sst s0  }
0x18: {  	s0 =	sld [smem:$0x3F98];
	_ =	swait.ge [sflag:s4], $0x0  }
0x19: {  	s7 =	sld [smem:$0x3F99]  }
0x1a: {  	s8 =	sadd.s32 $0xFFFFE003, lr  }
0x1b: {  	s9 =	sadd.s32 $0xFFFFFEF7, lr;
	s5 =	simm.s32 $0xFFFFFFFF;
	p2 =	slt.u32 s8, $0xFFFFF086  }
0x1c: {  	p1 =	slt.u32 s9, $0xF7A;
	s5 =	simm.s32 @!p2 $0x0  }
0x1d: {  	s5 =	simm.s32 @p1 $0x1;
	p0 =	seq.s32 s7, s2  }
0x1e: {  	s7 =	smul.u32 @!p0 $0xF7A, s2;
	p2 =	seq.s32 @!p0 s5, $0x0  }
0x1f: {  	s9 =	smul.u32 $0xF7A, s1;
	s8 =	simm.s32 @!p0 $0x1BF5;
	p2 =	por !p2, p0  }
0x20: {  	[sflag:s8] =	ssyncset.s32 @!p0 $0xFFFFF086;
	s6 =	sadd.s32 @!p0 s3, s7;
	s7 =	simm.s32 @!p0 $0x108  }
0x21: {  	s3 =	sadd.s32 s3, s9;
	s6 =	sadd.s32 @!p0 $0x88, s6;
	s7 =	simm.s32 @p2 $0x1082  }
0x22: {  	[simem:s7], [sflag:s8] =	dma.local @!p0 [hbm:s6], $0xF7A  }
0x23: {  	s9 =	sor.u32 $0xD0000000, s2;
	s6 =	simm.s32 $0x108;
	_ =	swait.ge @!p0 [sflag:s8], $0x0  }
0x24: {  	s3 =	sadd.s32 $0x88, s3;
	s6 =	simm.s32 @!p1 $0x1082;
	[sflag:s4] =	ssyncset.s32 $0xFFFFF086  }
0x25: {  	[simem:s6], [sflag:s4] =	dma.local [hbm:s3], $0xF7A  }
0x26: {  	[smem:$0x3F99] =	sst s1;
	(tag) =	ssettag s2;
	_ =	strace s9  }
0x27: {  	s1 =	sld [smem:$0x3FA9]  }
0x28: {  	s2 =	sld [smem:$0x3FAA]  }
0x29: {  	s4 =	sld [smem:$0x3FAC]  }
0x2a: {  	p0 =	seq.s32 s5, $0x0;
	s5 =	sld [smem:$0x3FAD]  }
0x2b: {  	s6 =	sld [smem:$0x3FAE]  }
0x2c: {  	s7 =	sld [smem:$0x3FAF]  }
0x2d: {  	s3 =	simm.s32 $0x108;
	s8 =	sld [smem:$0x3FB0]  }
0x2e: {  	s3 =	simm.s32 @!p0 $0x1082;
	s9 =	sld [smem:$0x3FB1]  }
0x2f: {  	lr =	sadd.s32 s0, s3;
	s0 =	sld [smem:$0x3FA8]  }
0x30: {  	s3 =	sld [smem:$0x3FAB]  }
0x31: {  	[smem:$0x3FB4] =	sst s10  }
0x32: {  	s10 =	sld [smem:$0x3FB2];
	_ =	sdelay $0x3  }
0x33: {  	p0 =	seq.s32 s10, $0x1;
	s10 =	sld [smem:$0x3FB4];
	_ =	sdelay $0x3  }
0x34: {  	[smem:$0x3FB4] =	sst s10  }
0x35: {  	s10 =	sld [smem:$0x3FB3];
	_ =	sdelay $0x3  }
0x36: {  	p1 =	seq.s32 s10, $0x1;
	s10 =	sld [smem:$0x3FB4];
	_ =	sdelay $0x3  }
0x37: {  	[smem:$0x3FB4] =	sst s10  }
0x38: {  	s10 =	sld [smem:$0x3FB5]  }
0x39: {  	_ = 	snop;
	(pc) =	sbr.ind lr, $3  }
0x3a: {  	_ = 	snop  }
0x3b: {  	_ = 	snop  }
0x3c: {  	p2 =	seq.s32 s10, $0x1;
	s10 =	sld [smem:$0x3FB4]  }
0x3d: {  	_ =	shalt  }
0x3e: {  	_ =	shalt  }
0x3f: {  	_ =	shalt  }
0x40: {  	_ =	shalt  }
0x41: {  	_ =	shalt  }
0x42: {  	_ =	shalt  }
0x43: {  	_ =	shalt  }
0x44: {  	_ =	shalt  }
0x45: {  	_ =	shalt  }
0x46: {  	_ =	shalt  }
0x47: {  	_ =	shalt  }
0x48: {  	_ =	shalt  }
0x49: {  	_ =	shalt  }
0x4a: {  	_ =	shalt  }
0x4b: {  	_ =	shalt  }
0x4c: {  	_ =	shalt  }
0x4d: {  	_ =	shalt  }
0x4e: {  	_ =	shalt  }
0x4f: {  	_ =	shalt  }
0x50: {  	_ =	shalt  }
0x51: {  	_ =	shalt  }
0x52: {  	_ =	shalt  }
0x53: {  	_ =	shalt  }
0x54: {  	_ =	shalt  }
0x55: {  	_ =	shalt  }
0x56: {  	_ =	shalt  }
0x57: {  	_ =	shalt  }
0x58: {  	_ =	shalt  }
0x59: {  	_ =	shalt  }
0x5a: {  	_ =	shalt  }
0x5b: {  	_ =	shalt  }
0x5c: {  	_ =	shalt  }
0x5d: {  	_ =	shalt  }
0x5e: {  	_ =	shalt  }
0x5f: {  	_ =	shalt  }
0x60: {  	_ =	shalt  }
0x61: {  	_ =	shalt  }
0x62: {  	_ =	shalt  }
0x63: {  	_ =	shalt  }
0x64: {  	_ =	shalt  }
0x65: {  	_ =	shalt  }
0x66: {  	_ =	shalt  }
0x67: {  	_ =	shalt  }
0x68: {  	_ =	shalt  }
0x69: {  	_ =	shalt  }
0x6a: {  	_ =	shalt  }
0x6b: {  	_ =	shalt  }
0x6c: {  	_ =	shalt  }
0x6d: {  	_ =	shalt  }
0x6e: {  	_ =	shalt  }
0x6f: {  	_ =	shalt  }
0x70: {  	_ =	shalt  }
0x71: {  	_ =	shalt  }
0x72: {  	_ =	shalt  }
0x73: {  	_ =	shalt  }
0x74: {  	_ =	shalt  }
0x75: {  	_ =	shalt  }
0x76: {  	_ =	shalt  }
0x77: {  	_ =	shalt  }
0x78: {  	_ =	shalt  }
0x79: {  	_ =	shalt  }
0x7a: {  	_ =	shalt  }
0x7b: {  	_ =	shalt  }
0x7c: {  	_ =	shalt  }
0x7d: {  	_ =	shalt  }
0x7e: {  	_ =	shalt  }
0x7f: {  	_ =	shalt  }
0x80: {  	_ =	shalt  }
0x81: {  	_ =	shalt  }
0x82: {  	_ =	shalt  }
0x83: {  	_ =	shalt  }
0x84: {  	_ =	shalt  }
0x85: {  	_ =	shalt  }
0x86: {  	_ =	shalt  }
0x87: {  	_ =	shalt  }
.Lfunc_end0:
.L_simem_size_0:
called_computation.1_lowered:
.L_overlay_start_0:
0x88: {  	s2 =	sld [smem:$0x3FD9]  }
0x89: {  	s3 =	sld [smem:$0x3FFE];
	_ =	sdelay $0x1  }
0x8a: {  	s1 =	srdreg.scid  }
0x8b: {  	s0 =	sand.u32 $0x1, s1  }
0x8c: {  	s17 =	sshll.u32 s0, $0xA;
	s2 =	sadd.s32 s3, s2  }
0x8d: {  	s2 =	sadd.s32 s2, s17  }
0x8e: {  	[smem:$0x3FC0] =	sst s2  }
0x8f: {  	_ = 	snop  }
0x90: {  	s2 =	sld [smem:$0x3FD0];
	(tm) =	ssettm $0x1  }
0x91: {  	s18 =	sld [smem:$0x3FFB];
	_ =	sdelay $0x3  }
0x92: {  	_ =	strace s18  }
0x93: {  	s3 =	sld [smem:$0x3FFC];
	_ =	sdelay $0x3  }
0x94: {  	_ =	strace s3  }
0x95: {  	s3 =	sld [smem:$0x3FFD];
	_ =	sdelay $0x3  }
0x96: {  	_ =	strace s3  }
0x97: {  	_ =	strace $0x8FFFFFFF  }
0x98: {  	s19 =	sld [smem:$0x3FDB];
	_ =	sdelay $0x1  }
0x99: {  	s4 =	simm.s32 $_scs_section_size  }
0x9a: {  	s5 =	simm.s32 $_size__tile_overlayer_lowered;
	s6 =	simm.s32 $_tile_overlayer_lowered  }
0x9b: {  	s22 =	simm.s32 $0x1BFF;
	s21 =	sshll.u32 s6, $0x1;
	s3 =	sadd.s32 s4, s19  }
0x9c: {  	s7 =	simm.s32 $0x0;
	s20 =	sshll.u32 s5, $0x1;
	s5 =	sadd.s32 s21, s3  }
0x9d: {  	[timem:s7], [sflag:s22] =	dma.local [hbm:s5], s20  }
0x9e: {  	_ =	swait.ge [sflag:s22], s20  }
0x9f: {  	s4 =	ssub.s32 $0x0, s20;
	[sflag:s22] =	ssyncset.done $0x0  }
0xa0: {  	[sflag:s22] =	ssyncadd.s32 s4;
	_ =	sdelay $0x1  }
0xa1: {  	s23 =	simm.s32 $0x1B8B  }
0xa2: {  	_ =	swait.ge [sflag:s23], $0x1  }
0xa3: {  	[sflag:s23] =	ssyncset.done $0x0  }
0xa4: {  	s25 =	simm.s32 $0x1B8E;
	s24 =	sld [smem:$0x3FFE];
	[sflag:s23] =	ssyncadd.s32 $0xFFFFFFFF  }
0xa5: {  	s26 =	simm.s32 $execute0_lowered;
	[smem:$0x3FD2] =	sst s25  }
0xa6: {  	s5 =	sshll.u32 s26, $0x1;
	_ =	strace $0x80000049;
	[dreg:$0x1] =	wrdreg $0xFFFFFFFF  }
0xa7: {  	s28 =	simm.s32 $_size_execute0_lowered;
	s3 =	sadd.s32 s3, s5;
	[dreg:$0x0] =	wrdreg $0x0  }
0xa8: {  	s5 =	sshll.u32 s28, $0x1;
	[dreg:$0x2] =	wrdreg s3  }
0xa9: {  	[dreg:$0x3] =	wrdreg s5  }
0xaa: {  	[dreg:$0x4] =	wrdreg $0xC0  }
0xab: {  	_ =	task [dreg:s7], $0x5FFFF  }
0xac: {  	[dreg:$0x1] =	wrdreg $0xFFFFFFFF  }
0xad: {  	[dreg:$0x0] =	wrdreg $0x60  }
0xae: {  	[dreg:$0x2] =	wrdreg s24  }
0xaf: {  	[dreg:$0x3] =	wrdreg s2  }
0xb0: {  	[dreg:$0x4] =	wrdreg $0xC0000  }
0xb1: {  	[dreg:$0x5] =	wrdreg $0x9  }
0xb2: {  	_ =	task.clear_ibuf [dreg:s7], $0x6FFFF;
	_ =	strace $0x90000049  }
0xb3: {  	s29 =	simm.s32 $0x9;
	_ =	strace $0x8000004B  }
0xb4: {  	_ =	swait.ge [sflag:s29], $0x1  }
0xb5: {  	[sflag:s29] =	ssyncadd.s32 $0xFFFFFFFF  }
0xb6: {  	_ =	strace $0x9000004B  }
0xb7: {  	_ =	sfence  }
0xb8: {  	s30 =	sld [smem:$0x0];
	_ =	sdelay $0x2  }
0xb9: {  	s31 =	sshll.u32 s1, $0xD;
	s1 =	sshrl.u32 s1, $0x2  }
0xba: {  	s3 =	sand.u32 $0x4000, s31;
	s1 =	sadd.s32 s1, s30  }
0xbb: {  	s0 =	sor.u32 s3, s0;
	s1 =	sshll.u32 s1, $0x11  }
0xbc: {  	s0 =	sor.u32 s1, s0  }
0xbd: {  	s0 =	sadd.s32 $0x8F2B, s0  }
0xbe: {  	[sflag:s0] =	ssyncadd.remote.s32 $0x1  }
0xbf: {  	_ =	sfence.sel $0xFFFF  }
0xc0: {  	[dreg:$0x0] =	wrdreg $0xFFFFFFFF;
	(pc) =	sbr.abs _section_cstart, $3  }
0xc1: {  	[dreg:$0x1] =	wrdreg $0xFFFFFFFF  }
0xc2: {  	_ =	task.clear_ibuf [dreg:s7], $0x2FFFF;
	_ =	strace $0x9FFFFFFF  }
0xc3: {  	(tm) =	ssettm $0x7FFFFFFF  }
tec
execute0_lowered:
.L_overlay_start_1:
0x0: {  	(tag) =	ssettag $0x1  }
0x1: {  	s6 =	rddreg [dreg:$0x0]  }
0x2: {  	s10 =	rddreg [dreg:$0x1]  }
0x3: {  	s1 =	rddreg [dreg:$0x2]  }
0x4: {  	s0 =	rddreg [dreg:$0x3]  }
0x5: {  	s3 =	simm.s32 $0x0;
	s2 =	stileid.u32;
	s5 =	srdreg.scid  }
0x6: {  	s16 =	simm.s32 $0xA000;
	s17 =	simm.s32 $0xB000;
	s18 =	simm.s32 $0x1  }
0x7: {  	s19 =	simm.s32 $0x2;
	s20 =	simm.s32 $0x4F80;
	s21 =	simm.s32 $0x9F00  }
0x8: {  	s22 =	simm.s32 $0x9F80;
	s23 =	simm.s32 $0x0;
	[smem:$0x7FF] =	sst s3  }
0x9: {  	s4 =	sadd.s32 $0xAE00, s6;
	s7 =	smul.u32 $0xA00, s2;
	s11 =	sand.u32 $0x1, s5  }
0xa: {  	s5 =	sadd.s32 $0x1000, s6;
	s9 =	smul.u32 $0x4F00, s2;
	s30 =	sshll.u32 s2, $0x6  }
0xb: {  	_ =	strace $0x8000004A;
	s8 =	ssub.s32 $0x2, s11;
	s13 =	smul.u32 $0x4F000, s11  }
0xc: {  	p0 =	seq.s32 s11, $0x1;
	s12 =	sadd.s32 s7, s6;
	s29 =	sshrl.u32 s8, $0x1  }
.Ltmp0:
0xd: {  	s6 =	sadd.s32 $0x14C00, s6;
	s15 =	sadd.s32 s9, s1;
	(pc) =	sbr.rel .LBB2_1-.Ltmp0, $4  }
0xe: {  	s7 =	sor.u32 $0x1C03, s30;
	s14 =	ssub.s32 s8, s29;
	s13 =	sadd.s32 s9, s13  }
0xf: {  	s8 =	sadd.s32 $0x37800, s12;
	s9 =	sadd.s32 $0x2D800, s12;
	s12 =	sshrl.u32 s15, $0x3  }
0x10: {  	s15 =	simm.s32 $0x80;
	s31 =	sshrl.u32 s13, $0x3;
	s11 =	smax.u32 s14, $0x1  }
0x11: {  	s13 =	simm.s32 $0x3;
	s14 =	simm.s32 $0x5000;
	s10 =	sadd.s32 s10, s31  }
.LBB2_7:
0x12: {  	s25 =	sadd.s32 $0x80, s24;
	[sflag:s13] =	ssyncadd.s32 $0xFFFFF000  }
0x13: {  	[tilespmem:s17], [sflag:$0x2] =	stream.indirect.gather [hbm4b:s5+s15], $0x20, s25, s15, $0xb8;
	[tilespmem:$0x10F00] =	vst v63  }
0x14: {  	_ =	swait.ge [sflag:s18], $0x1000  }
0x15: {  	[sflag:s18] =	ssyncset.done $0x0  }
0x16: {  	s29 =	sadd.s32 $0x5000, s24;
	[sflag:s18] =	ssyncadd.s32 $0xFFFFF000  }
0x17: {  	[spmem:s1] =	stream.indirect.scatter.add.f32 [tilespmem:s16], [sflag:$0x3], $0x20, s29, s15, $0xb8;
	[tilespmem:$0x10F00] =	vst v63  }
0x18: {  	_ =	swait.ge [sflag:s13], $0x1000  }
0x19: {  	[sflag:s13] =	ssyncset.done $0x0  }
0x1a: {  	s30 =	sadd.s32 $0x100, s24;
	[sflag:s13] =	ssyncadd.s32 $0xFFFFF000  }
0x1b: {  	[tilespmem:s16], [sflag:$0x1] =	stream.indirect.gather [hbm4b:s5+s15], $0x20, s30, s15, $0xb8;
	[tilespmem:$0x10F00] =	vst v63  }
0x1c: {  	_ =	swait.ge [sflag:s19], $0x1000  }
0x1d: {  	[sflag:s19] =	ssyncset.done $0x0  }
0x1e: {  	s31 =	sadd.s32 $0x5080, s24;
	[sflag:s19] =	ssyncadd.s32 $0xFFFFF000  }
0x1f: {  	[spmem:s1] =	stream.indirect.scatter.add.f32 [tilespmem:s17], [sflag:$0x3], $0x20, s31, s15, $0xb8;
	[tilespmem:$0x10F00] =	vst v63  }
0x20: {  	_ =	swait.ge [sflag:s13], $0x1000  }
0x21: {  	[sflag:s13] =	ssyncset.done $0x0  }
0x22: {  	[sflag:s13] =	ssyncadd.s32 $0xFFFFF000  }
0x23: {  	[tilespmem:s17], [sflag:$0x2] =	stream.indirect.gather [hbm4b:s5+s15], $0x20, s20, s15, $0xb8;
	[tilespmem:$0x10F00] =	vst v63  }
.LBB2_8:
0x24: {  	_ =	swait.ge [sflag:s18], $0x1000  }
0x25: {  	[sflag:s18] =	ssyncset.done $0x0  }
0x26: {  	[sflag:s18] =	ssyncadd.s32 $0xFFFFF000  }
0x27: {  	[spmem:s1] =	stream.indirect.scatter.add.f32 [tilespmem:s16], [sflag:$0x3], $0x20, s21, s15, $0xb8;
	[tilespmem:$0x10F00] =	vst v63  }
0x28: {  	_ =	swait.ge [sflag:s13], $0x1000  }
0x29: {  	[sflag:s13] =	ssyncset.done $0x0  }
0x2a: {  	[sflag:s13] =	ssyncadd.s32 $0xFFFFF000  }
0x2b: {  	_ =	swait.ge [sflag:s19], $0x1000  }
0x2c: {  	[sflag:s19] =	ssyncset.done $0x0  }
0x2d: {  	[sflag:s19] =	ssyncadd.s32 $0xFFFFF000  }
0x2e: {  	[spmem:s1] =	stream.indirect.scatter.add.f32 [tilespmem:s17], [sflag:$0x3], $0x20, s22, s15, $0xb8;
	[tilespmem:$0x10F00] =	vst v63  }
0x2f: {  	_ =	swait.ge [sflag:s13], $0x1000  }
0x30: {  	s23 =	sadd.s32 $0x1, s23;
	[sflag:s13] =	ssyncset.done $0x0  }
0x31: {  	p1 =	sne.s32 s23, s11;
	[sflag:s13] =	ssyncadd.s32 $0xFFFFF000  }
.Ltmp1:
0x32: {  	[bflag:$0x0] =	sbarrier.arrive $0xFFFF;
	(pc) =	sbr.rel @!p1 .LBB2_9-.Ltmp1, $4  }
0x33: {  	[hbm:s10], [sflag:s7] =	dma.local [spmem:s12], $0x9E0  }
0x34: {  	_ =	swait.ge [sflag:s13], $0x9E0  }
0x35: {  	[sflag:s13] =	ssyncset.done $0x0  }
0x36: {  	[sflag:s13] =	ssyncadd.s32 $0xFFFFF620  }
.LBB2_1:
0x37: {  	[spmem:s12], [sflag:s7] =	dma.local [hbm:s6], $0x9E0  }
0x38: {  	_ =	swait.ge [sflag:s13], $0x9E0  }
0x39: {  	[sflag:s13] =	ssyncset.done $0x0  }
0x3a: {  	[sflag:s13] =	ssyncadd.s32 $0xFFFFF620  }
0x3b: {  	[tilespmem:s3], [sflag:$0x3] =	stream.linear.gather [hbm4b:s8+s3], $0x5000, $0x38;
	[tilespmem:$0x10F00] =	vst v63  }
0x3c: {  	_ =	swait.ge [sflag:s13], $0x5000  }
0x3d: {  	[sflag:s13] =	ssyncset.done $0x0  }
0x3e: {  	[sflag:s13] =	ssyncadd.s32 $0xFFFFB000  }
0x3f: {  	[tilespmem:s14], [sflag:$0x3] =	stream.linear.gather [hbm4b:s9+s3], $0x5000, $0x38;
	[tilespmem:$0x10F00] =	vst v63  }
.Ltmp2:
0x40: {  	_ =	swait.ge [sflag:s13], $0x5000;
	(pc) =	sbr.rel @!p0 .LBB2_2-.Ltmp2, $4  }
0x41: {  	[sflag:s13] =	ssyncset.done $0x0  }
0x42: {  	[sflag:s13] =	ssyncadd.s32 $0xFFFFB000  }
0x43: {  	[bflag:$0x0] =	sbarrier.arrive $0xFFFF  }
0x44: {  	s24 =	simm.s32 $0x0  }
0x45: {  	[tilespmem:s16], [sflag:$0x1] =	stream.indirect.gather [hbm4b:s5+s15], $0x20, s24, s15, $0xb8;
	[tilespmem:$0x10F00] =	vst v63  }
0x46: {  	s28 =	simm.s32 $0x80  }
0x47: {  	[tilespmem:s17], [sflag:$0x2] =	stream.indirect.gather [hbm4b:s5+s15], $0x20, s28, s15, $0xb8;
	[tilespmem:$0x10F00] =	vst v63  }
0x48: {  	_ =	swait.ge [sflag:s18], $0x1000  }
0x49: {  	[sflag:s18] =	ssyncset.done $0x0  }
0x4a: {  	s29 =	simm.s32 $0x5000;
	[sflag:s18] =	ssyncadd.s32 $0xFFFFF000  }
0x4b: {  	[spmem:s1] =	stream.indirect.scatter.add.f32 [tilespmem:s16], [sflag:$0x3], $0x20, s29, s15, $0xb8;
	[tilespmem:$0x10F00] =	vst v63  }
0x4c: {  	_ =	swait.ge [sflag:s13], $0x1000  }
0x4d: {  	[sflag:s13] =	ssyncset.done $0x0  }
0x4e: {  	s30 =	simm.s32 $0x100;
	[sflag:s13] =	ssyncadd.s32 $0xFFFFF000  }
0x4f: {  	[tilespmem:s16], [sflag:$0x1] =	stream.indirect.gather [hbm4b:s5+s15], $0x20, s30, s15, $0xb8;
	[tilespmem:$0x10F00] =	vst v63  }
0x50: {  	_ =	swait.ge [sflag:s19], $0x1000  }
0x51: {  	[sflag:s19] =	ssyncset.done $0x0  }
0x52: {  	s31 =	simm.s32 $0x5080;
	[sflag:s19] =	ssyncadd.s32 $0xFFFFF000  }
0x53: {  	[spmem:s1] =	stream.indirect.scatter.add.f32 [tilespmem:s17], [sflag:$0x3], $0x20, s31, s15, $0xb8;
	[tilespmem:$0x10F00] =	vst v63  }
0x54: {  	_ =	swait.ge [sflag:s13], $0x1000  }
0x55: {  	s25 =	simm.s32 $0x800;
	s24 =	simm.s32 $0x100;
	[sflag:s13] =	ssyncset.done $0x0  }
.LBB2_6:
0x56: {  	s26 =	sadd.s32 $0x80, s24  }
0x57: {  	[sflag:s13] =	ssyncadd.s32 $0xFFFFF000;
	s28 =	smov.u32 s25;
	s29 =	sadd.s32 $0x400, s25  }
0x58: {  	[tilespmem:s17], [sflag:$0x2] =	stream.indirect.gather [hbm4b:s5+s15], $0x20, s26, s15, $0xb8;
	[tilespmem:$0x10F00] =	vst v63  }
0x59: {  	p1 =	sne.s32 s25, $0x13800;
	_ =	swait.ge [sflag:s18], $0x1000  }
0x5a: {  	[sflag:s18] =	ssyncset.done $0x0  }
0x5b: {  	s25 =	sadd.s32 $0x5000, s24;
	[sflag:s18] =	ssyncadd.s32 $0xFFFFF000  }
0x5c: {  	[spmem:s1] =	stream.indirect.scatter.add.f32 [tilespmem:s16], [sflag:$0x3], $0x20, s25, s15, $0xb8;
	[tilespmem:$0x10F00] =	vst v63  }
0x5d: {  	_ =	swait.ge [sflag:s13], $0x1000  }
0x5e: {  	[sflag:s13] =	ssyncset.done $0x0  }
0x5f: {  	s25 =	sadd.s32 $0x100, s24;
	[sflag:s13] =	ssyncadd.s32 $0xFFFFF000  }
0x60: {  	[tilespmem:s16], [sflag:$0x1] =	stream.indirect.gather [hbm4b:s5+s15], $0x20, s25, s15, $0xb8;
	[tilespmem:$0x10F00] =	vst v63  }
0x61: {  	_ =	swait.ge [sflag:s19], $0x1000  }
.Ltmp3:
0x62: {  	[sflag:s19] =	ssyncset.done $0x0;
	(pc) =	sbr.rel @p1 .LBB2_6-.Ltmp3, $4  }
0x63: {  	s24 =	sadd.s32 $0x5080, s24;
	[sflag:s19] =	ssyncadd.s32 $0xFFFFF000  }
0x64: {  	[spmem:s1] =	stream.indirect.scatter.add.f32 [tilespmem:s17], [sflag:$0x3], $0x20, s24, s15, $0xb8;
	[tilespmem:$0x10F00] =	vst v63  }
0x65: {  	_ =	swait.ge [sflag:s13], $0x1000  }
0x66: {  	s25 =	smov.u32 s29;
	s24 =	sshra.s32 s28, $0x2;
	[sflag:s13] =	ssyncset.done $0x0  }
.Ltmp4:
0x67: {  	_ = 	snop;
	(pc) =	sbr.rel .LBB2_7-.Ltmp4, $1  }
0x68: {  	_ =	sdelay $0x3  }
.LBB2_2:
0x69: {  	[tilespmem:s16], [sflag:$0x1] =	stream.indirect.gather [hbm4b:s4+s15], $0x20, s24, s15, $0xb8;
	[tilespmem:$0x10F00] =	vst v63  }
0x6a: {  	s28 =	simm.s32 $0x80  }
0x6b: {  	[tilespmem:s17], [sflag:$0x2] =	stream.indirect.gather [hbm4b:s4+s15], $0x20, s28, s15, $0xb8;
	[tilespmem:$0x10F00] =	vst v63  }
0x6c: {  	_ =	swait.ge [sflag:s18], $0x1000  }
0x6d: {  	[sflag:s18] =	ssyncset.done $0x0  }
0x6e: {  	s29 =	simm.s32 $0x5000;
	[sflag:s18] =	ssyncadd.s32 $0xFFFFF000  }
0x6f: {  	[spmem:s1] =	stream.indirect.scatter.add.f32 [tilespmem:s16], [sflag:$0x3], $0x20, s29, s15, $0xb8;
	[tilespmem:$0x10F00] =	vst v63  }
0x70: {  	_ =	swait.ge [sflag:s13], $0x1000  }
0x71: {  	[sflag:s13] =	ssyncset.done $0x0  }
0x72: {  	s30 =	simm.s32 $0x100;
	[sflag:s13] =	ssyncadd.s32 $0xFFFFF000  }
0x73: {  	[tilespmem:s16], [sflag:$0x1] =	stream.indirect.gather [hbm4b:s4+s15], $0x20, s30, s15, $0xb8;
	[tilespmem:$0x10F00] =	vst v63  }
0x74: {  	_ =	swait.ge [sflag:s19], $0x1000  }
0x75: {  	[sflag:s19] =	ssyncset.done $0x0  }
0x76: {  	s31 =	simm.s32 $0x5080;
	[sflag:s19] =	ssyncadd.s32 $0xFFFFF000  }
0x77: {  	[spmem:s1] =	stream.indirect.scatter.add.f32 [tilespmem:s17], [sflag:$0x3], $0x20, s31, s15, $0xb8;
	[tilespmem:$0x10F00] =	vst v63  }
0x78: {  	_ =	swait.ge [sflag:s13], $0x1000  }
0x79: {  	s25 =	simm.s32 $0x800;
	s24 =	simm.s32 $0x100;
	[sflag:s13] =	ssyncset.done $0x0  }
.LBB2_3:
0x7a: {  	s26 =	sadd.s32 $0x80, s24  }
0x7b: {  	[sflag:s13] =	ssyncadd.s32 $0xFFFFF000;
	s28 =	smov.u32 s25;
	s29 =	sadd.s32 $0x400, s25  }
0x7c: {  	[tilespmem:s17], [sflag:$0x2] =	stream.indirect.gather [hbm4b:s4+s15], $0x20, s26, s15, $0xb8;
	[tilespmem:$0x10F00] =	vst v63  }
0x7d: {  	p1 =	seq.s32 s25, $0x13800;
	_ =	swait.ge [sflag:s18], $0x1000  }
0x7e: {  	[sflag:s18] =	ssyncset.done $0x0  }
0x7f: {  	s25 =	sadd.s32 $0x5000, s24;
	[sflag:s18] =	ssyncadd.s32 $0xFFFFF000  }
0x80: {  	[spmem:s1] =	stream.indirect.scatter.add.f32 [tilespmem:s16], [sflag:$0x3], $0x20, s25, s15, $0xb8;
	[tilespmem:$0x10F00] =	vst v63  }
0x81: {  	_ =	swait.ge [sflag:s13], $0x1000  }
0x82: {  	[sflag:s13] =	ssyncset.done $0x0  }
0x83: {  	s25 =	sadd.s32 $0x100, s24;
	[sflag:s13] =	ssyncadd.s32 $0xFFFFF000  }
0x84: {  	[tilespmem:s16], [sflag:$0x1] =	stream.indirect.gather [hbm4b:s4+s15], $0x20, s25, s15, $0xb8;
	[tilespmem:$0x10F00] =	vst v63  }
0x85: {  	_ =	swait.ge [sflag:s19], $0x1000  }
.Ltmp5:
0x86: {  	[sflag:s19] =	ssyncset.done $0x0;
	(pc) =	sbr.rel @!p1 .LBB2_3-.Ltmp5, $4  }
0x87: {  	s24 =	sadd.s32 $0x5080, s24;
	[sflag:s19] =	ssyncadd.s32 $0xFFFFF000  }
0x88: {  	[spmem:s1] =	stream.indirect.scatter.add.f32 [tilespmem:s17], [sflag:$0x3], $0x20, s24, s15, $0xb8;
	[tilespmem:$0x10F00] =	vst v63  }
0x89: {  	_ =	swait.ge [sflag:s13], $0x1000  }
0x8a: {  	s25 =	smov.u32 s29;
	s24 =	sshra.s32 s28, $0x2;
	[sflag:s13] =	ssyncset.done $0x0  }
0x8b: {  	s25 =	sadd.s32 $0x80, s24;
	[sflag:s13] =	ssyncadd.s32 $0xFFFFF000  }
0x8c: {  	[tilespmem:s17], [sflag:$0x2] =	stream.indirect.gather [hbm4b:s4+s15], $0x20, s25, s15, $0xb8;
	[tilespmem:$0x10F00] =	vst v63  }
0x8d: {  	_ =	swait.ge [sflag:s18], $0x1000  }
0x8e: {  	[sflag:s18] =	ssyncset.done $0x0  }
0x8f: {  	s29 =	sadd.s32 $0x5000, s24;
	[sflag:s18] =	ssyncadd.s32 $0xFFFFF000  }
0x90: {  	[spmem:s1] =	stream.indirect.scatter.add.f32 [tilespmem:s16], [sflag:$0x3], $0x20, s29, s15, $0xb8;
	[tilespmem:$0x10F00] =	vst v63  }
0x91: {  	_ =	swait.ge [sflag:s13], $0x1000  }
0x92: {  	[sflag:s13] =	ssyncset.done $0x0  }
0x93: {  	s30 =	sadd.s32 $0x100, s24;
	[sflag:s13] =	ssyncadd.s32 $0xFFFFF000  }
0x94: {  	[tilespmem:s16], [sflag:$0x1] =	stream.indirect.gather [hbm4b:s4+s15], $0x20, s30, s15, $0xb8;
	[tilespmem:$0x10F00] =	vst v63  }
0x95: {  	_ =	swait.ge [sflag:s19], $0x1000  }
0x96: {  	[sflag:s19] =	ssyncset.done $0x0  }
0x97: {  	s31 =	sadd.s32 $0x5080, s24;
	[sflag:s19] =	ssyncadd.s32 $0xFFFFF000  }
0x98: {  	[spmem:s1] =	stream.indirect.scatter.add.f32 [tilespmem:s17], [sflag:$0x3], $0x20, s31, s15, $0xb8;
	[tilespmem:$0x10F00] =	vst v63  }
.Ltmp6:
0x99: {  	_ = 	snop;
	(pc) =	sbr.rel .LBB2_8-.Ltmp6, $4  }
0x9a: {  	_ =	swait.ge [sflag:s13], $0x1000  }
0x9b: {  	[sflag:s13] =	ssyncset.done $0x0  }
0x9c: {  	[sflag:s13] =	ssyncadd.s32 $0xFFFFF000  }
0x9d: {  	[tilespmem:s17], [sflag:$0x2] =	stream.indirect.gather [hbm4b:s4+s15], $0x20, s20, s15, $0xb8;
	[tilespmem:$0x10F00] =	vst v63  }
.LBB2_9:
0x9e: {  	_ =	sfence.sel $0x180000  }
0x9f: {  	[bflag:$0x0] =	sbarrier.arrive $0xFFFF  }
0xa0: {  	p0 =	sne.s32 s2, $0x0;
	_ =	strace $0x9000004A  }
0xa1: {  	s0 =	sadd.s32 @!p0 $0x100000, s0;
	[bflag:$0x2] =	sbarrier.arrive $0xFFFF  }
0xa2: {  	[sflag:s0] =	ssyncadd.tile.s32 @!p0 $0x1;
	_ =	shalt  }
.Lfunc_end2:
_tile_overlayer_lowered:
.L_overlay_start_2:
0xa3: {  	(tag) =	ssettag $0x2  }
0xa4: {  	s0 =	rddreg [dreg:$0x0];
	s2 =	stileid.u32  }
0xa5: {  	s1 =	rddreg [dreg:$0x1];
	p0 =	sne.s32 s2, $0x0  }
0xa6: {  	s3 =	rddreg [dreg:$0x2];
	[bflag:$0x3] =	sbarrier.arrive $0xFFFF;
	s2 =	simm.s32 @!p0 $0x1C03  }
0xa7: {  	[timem:s3], [sflag:s2] =	dma.local @!p0 [hbm:s0], s1  }
0xa8: {  	s0 =	simm.s32 @!p0 $0x3  }
0xa9: {  	_ =	swait.ge @!p0 [sflag:s0], s1  }
0xaa: {  	s1 =	ssub.s32 @!p0 $0x0, s1;
	[sflag:s0] =	ssyncset.done @!p0 $0x0  }
0xab: {  	[sflag:s0] =	ssyncadd.s32 @!p0 s1  }
0xac: {  	[bflag:$0x3] =	sbarrier.arrive $0xFFFF  }
0xad: {  	_ =	shalt  }

</sc_bundles>
